<compile_context>
chip_gen: v7x
topology: tpu7x:2x2x1
jax: 0.10.2.dev20260603
libtpu: 0.0.44.dev20260713+nightly
codegen_flags: <defaults>
</compile_context>

<pallas_src>
import functools

import jax
import jax.numpy as jnp
from jax import lax
from jax.experimental import pallas as pl
from jax.experimental.pallas import tpu as pltpu
from jax.experimental.pallas import tpu_sc as plsc

B = 16384
D = 32
L = 16


def _sc_embed(user, feed, city, user_table, feed_table, city_table):
    info = plsc.get_sparse_core_info()
    nw = info.num_cores * info.num_subcores
    bpw = B // nw

    mesh = plsc.VectorSubcoreMesh(core_axis_name="c", subcore_axis_name="s")

    @functools.partial(
        pl.kernel,
        mesh=mesh,
        compiler_params=pltpu.CompilerParams(use_tc_tiling_on_sc=False),
        out_type=jax.ShapeDtypeStruct((3 * B, D), jnp.float32),
        scratch_types=[
            pltpu.VMEM((bpw,), jnp.int32),
            pltpu.VMEM((bpw,), jnp.int32),
            pltpu.VMEM((bpw,), jnp.int32),
            pltpu.VMEM((bpw,), jnp.int32),
            pltpu.VMEM((bpw,), jnp.int32),
            pltpu.VMEM((bpw,), jnp.int32),
            pltpu.VMEM((bpw, D), jnp.float32),
            pltpu.VMEM((bpw, D), jnp.float32),
            pltpu.VMEM((bpw, D), jnp.float32),
            pltpu.SemaphoreType.DMA,
            pltpu.SemaphoreType.DMA,
            pltpu.SemaphoreType.DMA,
            pltpu.SemaphoreType.DMA,
            pltpu.SemaphoreType.DMA,
            pltpu.SemaphoreType.DMA,
        ],
    )
    def k(user_hbm, feed_hbm, city_hbm, ut_hbm, ft_hbm, ct_hbm, out_hbm,
          uidx_v, fidx_v, cidx_v, udst_v, fdst_v, cdst_v,
          urows_v, frows_v, crows_v, su, sf, sc, pu, pf, pc):
        wid = lax.axis_index("s") * info.num_cores + lax.axis_index("c")
        base = wid * bpw
        pltpu.sync_copy(user_hbm.at[pl.ds(base, bpw)], uidx_v)
        pltpu.sync_copy(feed_hbm.at[pl.ds(base, bpw)], fidx_v)
        pltpu.sync_copy(city_hbm.at[pl.ds(base, bpw)], cidx_v)
        cu = pltpu.async_copy(ut_hbm.at[uidx_v], urows_v, su)
        cf = pltpu.async_copy(ft_hbm.at[fidx_v], frows_v, sf)
        cc = pltpu.async_copy(ct_hbm.at[cidx_v], crows_v, sc)

        tri_iota = lax.iota(jnp.int32, L) * 3
        for i in range(bpw // L):
            d = tri_iota + (3 * base + 3 * L * i)
            udst_v[pl.ds(L * i, L)] = d
            fdst_v[pl.ds(L * i, L)] = d + 1
            cdst_v[pl.ds(L * i, L)] = d + 2

        cu.wait()
        wu = pltpu.async_copy(urows_v, out_hbm.at[udst_v], pu)
        cf.wait()
        wf = pltpu.async_copy(frows_v, out_hbm.at[fdst_v], pf)
        cc.wait()
        wc = pltpu.async_copy(crows_v, out_hbm.at[cdst_v], pc)
        wu.wait()
        wf.wait()
        wc.wait()

    out3 = k(user, feed, city, user_table, feed_table, city_table)
    return out3.reshape(B, 3 * D)


def kernel(user, feed, city, user_table, feed_table, city_table):
    return _sc_embed(user.astype(jnp.int32), feed.astype(jnp.int32),
                     city.astype(jnp.int32), user_table, feed_table, city_table)

# --- scband reference (transcript-rebuilt; emitter-appended) ---
"""Pipeline reference for scband-rec-embedding-old-38568806318497 (READ-ONLY COPY).

The authoritative reference and input builder live on the scoring server;
editing this copy changes nothing except your own understanding.
"""

import jax, jax.numpy as jnp
import numpy as np

B = 16384

def setup_inputs(seed: int = 0) -> dict:
    key = jax.random.key(seed)
    k1, k2, k3, k4, k5, k6 = jax.random.split(key, 6)
    user = jax.random.randint(k1, (B,), 0, 300000, dtype=jnp.int64 if jax.config.jax_enable_x64 else jnp.int32)
    feed = jax.random.randint(k2, (B,), 0, 4000, dtype=jnp.int64 if jax.config.jax_enable_x64 else jnp.int32)
    city = jax.random.randint(k3, (B,), 0, 340, dtype=jnp.int64 if jax.config.jax_enable_x64 else jnp.int32)
    user_table = jax.random.normal(k4, (300000, 32), dtype=jnp.float32)
    feed_table = jax.random.normal(k5, (4000, 32), dtype=jnp.float32)
    city_table = jax.random.normal(k6, (340, 32), dtype=jnp.float32)
    return {"user": user, "feed": feed, "city": city,
            "user_table": user_table, "feed_table": feed_table, "city_table": city_table}

def reference(user, feed, city, user_table, feed_table, city_table):
    user_out = jnp.take(user_table, user, axis=0)
    feed_out = jnp.take(feed_table, feed, axis=0)
    city_out = jnp.take(city_table, city, axis=0)
    return jnp.concatenate([user_out, feed_out, city_out], axis=1)

if __name__ == "__main__":
    import jax
    _d = setup_inputs()
    print(jax.jit(kernel)(*tuple(_d.values())))

</pallas_src>

<mosaic_0001>
#map = affine_map<(d0, d1) -> (0)>
#map1 = affine_map<(d0, d1) -> (0, 0)>
module attributes {stable_mosaic.version = 14 : i64} {
  func.func @k(%arg0: i32, %arg1: i32, %arg2: memref<16384xi32, #tpu.memory_space<hbm>>, %arg3: memref<16384xi32, #tpu.memory_space<hbm>>, %arg4: memref<16384xi32, #tpu.memory_space<hbm>>, %arg5: memref<300000x32xf32, #tpu.memory_space<hbm>>, %arg6: memref<4000x32xf32, #tpu.memory_space<hbm>>, %arg7: memref<340x32xf32, #tpu.memory_space<hbm>>, %arg8: memref<49152x32xf32, #tpu.memory_space<hbm>>, %arg9: memref<512xi32, #tpu.memory_space<vmem>>, %arg10: memref<512xi32, #tpu.memory_space<vmem>>, %arg11: memref<512xi32, #tpu.memory_space<vmem>>, %arg12: memref<512xi32, #tpu.memory_space<vmem>>, %arg13: memref<512xi32, #tpu.memory_space<vmem>>, %arg14: memref<512xi32, #tpu.memory_space<vmem>>, %arg15: memref<512x32xf32, #tpu.memory_space<vmem>>, %arg16: memref<512x32xf32, #tpu.memory_space<vmem>>, %arg17: memref<512x32xf32, #tpu.memory_space<vmem>>, %arg18: memref<!tpu.dma_semaphore, #tpu.memory_space<semaphore_mem>>, %arg19: memref<!tpu.dma_semaphore, #tpu.memory_space<semaphore_mem>>, %arg20: memref<!tpu.dma_semaphore, #tpu.memory_space<semaphore_mem>>, %arg21: memref<!tpu.dma_semaphore, #tpu.memory_space<semaphore_mem>>, %arg22: memref<!tpu.dma_semaphore, #tpu.memory_space<semaphore_mem>>, %arg23: memref<!tpu.dma_semaphore, #tpu.memory_space<semaphore_mem>>) attributes {dimension_semantics = [#tpu.dimension_semantics<core_parallel>, #tpu.dimension_semantics<subcore_parallel>], iteration_bounds = array<i64: 2, 16>, scalar_prefetch = 0 : i64, scratch_operands = 15 : i64, tpu.core_type = #tpu.core_type<sc_vector_subcore>, window_params = [{transform_indices = #map}, {transform_indices = #map}, {transform_indices = #map}, {transform_indices = #map1}, {transform_indices = #map1}, {transform_indices = #map1}, {transform_indices = #map1}]} {
    %mul3A = arith.constant 2 : i32
    %mul3A_0 = arith.muli %arg1, %mul3A : i32
    %add3A = arith.addi %mul3A_0, %arg0 : i32
    %mul3A_1 = arith.constant 512 : i32
    %mul3A_2 = arith.muli %add3A, %mul3A_1 : i32
    "tpu.region"() ({
      %run_scoped3A = tpu.sem_alloc : memref<!tpu.dma_semaphore, #tpu.memory_space<semaphore_mem>>
      %dma_start3A_807 = tpu.memref_slice %arg2[%mul3A_2] : memref<16384xi32, #tpu.memory_space<hbm>> -> memref<512xi32, #tpu.memory_space<hbm>>
      %dma_start3A_808 = tpu.memref_slice %arg2[%mul3A_2] : memref<16384xi32, #tpu.memory_space<hbm>> -> memref<512xi32, #tpu.memory_space<hbm>>
      tpu.enqueue_dma source(%dma_start3A_808 : memref<512xi32, #tpu.memory_space<hbm>>) target(%arg9 : memref<512xi32, #tpu.memory_space<vmem>>) target_semaphore(%run_scoped3A : memref<!tpu.dma_semaphore, #tpu.memory_space<semaphore_mem>>)
      %dma_wait3A_809 = tpu.memref_slice %arg2[%mul3A_2] : memref<16384xi32, #tpu.memory_space<hbm>> -> memref<512xi32, #tpu.memory_space<hbm>>
      %dma_wait3A_810 = tpu.memref_slice %arg2[%mul3A_2] : memref<16384xi32, #tpu.memory_space<hbm>> -> memref<512xi32, #tpu.memory_space<hbm>>
      tpu.wait_dma2 semaphore(%run_scoped3A : memref<!tpu.dma_semaphore, #tpu.memory_space<semaphore_mem>>) src(%dma_wait3A_810 : memref<512xi32, #tpu.memory_space<hbm>>) dst(%arg9 : memref<512xi32, #tpu.memory_space<vmem>>)
      tpu.yield
    }) : () -> ()
    "tpu.region"() ({
      %run_scoped3A = tpu.sem_alloc : memref<!tpu.dma_semaphore, #tpu.memory_space<semaphore_mem>>
      %dma_start3A_807 = tpu.memref_slice %arg3[%mul3A_2] : memref<16384xi32, #tpu.memory_space<hbm>> -> memref<512xi32, #tpu.memory_space<hbm>>
      %dma_start3A_808 = tpu.memref_slice %arg3[%mul3A_2] : memref<16384xi32, #tpu.memory_space<hbm>> -> memref<512xi32, #tpu.memory_space<hbm>>
      tpu.enqueue_dma source(%dma_start3A_808 : memref<512xi32, #tpu.memory_space<hbm>>) target(%arg10 : memref<512xi32, #tpu.memory_space<vmem>>) target_semaphore(%run_scoped3A : memref<!tpu.dma_semaphore, #tpu.memory_space<semaphore_mem>>)
      %dma_wait3A_809 = tpu.memref_slice %arg3[%mul3A_2] : memref<16384xi32, #tpu.memory_space<hbm>> -> memref<512xi32, #tpu.memory_space<hbm>>
      %dma_wait3A_810 = tpu.memref_slice %arg3[%mul3A_2] : memref<16384xi32, #tpu.memory_space<hbm>> -> memref<512xi32, #tpu.memory_space<hbm>>
      tpu.wait_dma2 semaphore(%run_scoped3A : memref<!tpu.dma_semaphore, #tpu.memory_space<semaphore_mem>>) src(%dma_wait3A_810 : memref<512xi32, #tpu.memory_space<hbm>>) dst(%arg10 : memref<512xi32, #tpu.memory_space<vmem>>)
      tpu.yield
    }) : () -> ()
    "tpu.region"() ({
      %run_scoped3A = tpu.sem_alloc : memref<!tpu.dma_semaphore, #tpu.memory_space<semaphore_mem>>
      %dma_start3A_807 = tpu.memref_slice %arg4[%mul3A_2] : memref<16384xi32, #tpu.memory_space<hbm>> -> memref<512xi32, #tpu.memory_space<hbm>>
      %dma_start3A_808 = tpu.memref_slice %arg4[%mul3A_2] : memref<16384xi32, #tpu.memory_space<hbm>> -> memref<512xi32, #tpu.memory_space<hbm>>
      tpu.enqueue_dma source(%dma_start3A_808 : memref<512xi32, #tpu.memory_space<hbm>>) target(%arg11 : memref<512xi32, #tpu.memory_space<vmem>>) target_semaphore(%run_scoped3A : memref<!tpu.dma_semaphore, #tpu.memory_space<semaphore_mem>>)
      %dma_wait3A_809 = tpu.memref_slice %arg4[%mul3A_2] : memref<16384xi32, #tpu.memory_space<hbm>> -> memref<512xi32, #tpu.memory_space<hbm>>
      %dma_wait3A_810 = tpu.memref_slice %arg4[%mul3A_2] : memref<16384xi32, #tpu.memory_space<hbm>> -> memref<512xi32, #tpu.memory_space<hbm>>
      tpu.wait_dma2 semaphore(%run_scoped3A : memref<!tpu.dma_semaphore, #tpu.memory_space<semaphore_mem>>) src(%dma_wait3A_810 : memref<512xi32, #tpu.memory_space<hbm>>) dst(%arg11 : memref<512xi32, #tpu.memory_space<vmem>>)
      tpu.yield
    }) : () -> ()
    %dma_start3A = arith.constant 0 : i32
    %dma_start3A_3 = arith.constant 0 : i32
    %dma_start3A_4 = tpu.memref_slice %arg5[%dma_start3A, %dma_start3A_3] : memref<300000x32xf32, #tpu.memory_space<hbm>> -> memref<300000x32xf32, #tpu.memory_space<hbm>>
    tpu.enqueue_indirect_dma source(%dma_start3A_4 : memref<300000x32xf32, #tpu.memory_space<hbm>>) target(%arg15 : memref<512x32xf32, #tpu.memory_space<vmem>>) offsets(%arg9 : memref<512xi32, #tpu.memory_space<vmem>>) semaphore(%arg18 : memref<!tpu.dma_semaphore, #tpu.memory_space<semaphore_mem>>)
    %dma_start3A_5 = arith.constant 0 : i32
    %dma_start3A_6 = arith.constant 0 : i32
    %dma_start3A_7 = tpu.memref_slice %arg6[%dma_start3A_5, %dma_start3A_6] : memref<4000x32xf32, #tpu.memory_space<hbm>> -> memref<4000x32xf32, #tpu.memory_space<hbm>>
    tpu.enqueue_indirect_dma source(%dma_start3A_7 : memref<4000x32xf32, #tpu.memory_space<hbm>>) target(%arg16 : memref<512x32xf32, #tpu.memory_space<vmem>>) offsets(%arg10 : memref<512xi32, #tpu.memory_space<vmem>>) semaphore(%arg19 : memref<!tpu.dma_semaphore, #tpu.memory_space<semaphore_mem>>)
    %dma_start3A_8 = arith.constant 0 : i32
    %dma_start3A_9 = arith.constant 0 : i32
    %dma_start3A_10 = tpu.memref_slice %arg7[%dma_start3A_8, %dma_start3A_9] : memref<340x32xf32, #tpu.memory_space<hbm>> -> memref<340x32xf32, #tpu.memory_space<hbm>>
    tpu.enqueue_indirect_dma source(%dma_start3A_10 : memref<340x32xf32, #tpu.memory_space<hbm>>) target(%arg17 : memref<512x32xf32, #tpu.memory_space<vmem>>) offsets(%arg11 : memref<512xi32, #tpu.memory_space<vmem>>) semaphore(%arg20 : memref<!tpu.dma_semaphore, #tpu.memory_space<semaphore_mem>>)
    %iota3A = tpu.iota {dimensions = array<i32: 0>} : vector<16xi32>
    %mul3A_11 = arith.constant 3 : i32
    %mul3A_12 = vector.broadcast %mul3A_11 : i32 to vector<16xi32>
    %mul3A_13 = arith.muli %iota3A, %mul3A_12 : vector<16xi32>
    %mul3A_14 = arith.constant 3 : i32
    %mul3A_15 = arith.muli %mul3A_14, %mul3A_2 : i32
    %add3A_16 = arith.constant 0 : i32
    %add3A_17 = arith.addi %mul3A_15, %add3A_16 : i32
    %add3A_18 = vector.broadcast %add3A_17 : i32 to vector<16xi32>
    %add3A_19 = arith.addi %mul3A_13, %add3A_18 : vector<16xi32>
    %swap3A = arith.constant 0 : index
    %swap3A_20 = tpu.vector_load %arg12[%swap3A] {strides = array<i32>} : memref<512xi32, #tpu.memory_space<vmem>>, vector<16xi32>,
    %swap3A_21 = vector.shape_cast %swap3A_20 : vector<16xi32> to vector<16xi32>
    %swap3A_22 = vector.shape_cast %add3A_19 : vector<16xi32> to vector<16xi32>
    tpu.vector_store %arg12[%swap3A], %swap3A_22 {strides = array<i32>} : memref<512xi32, #tpu.memory_space<vmem>>, vector<16xi32>,
    %add3A_23 = arith.constant 1 : i32
    %add3A_24 = vector.broadcast %add3A_23 : i32 to vector<16xi32>
    %add3A_25 = arith.addi %add3A_19, %add3A_24 : vector<16xi32>
    %swap3A_26 = arith.constant 0 : index
    %swap3A_27 = tpu.vector_load %arg13[%swap3A_26] {strides = array<i32>} : memref<512xi32, #tpu.memory_space<vmem>>, vector<16xi32>,
    %swap3A_28 = vector.shape_cast %swap3A_27 : vector<16xi32> to vector<16xi32>
    %swap3A_29 = vector.shape_cast %add3A_25 : vector<16xi32> to vector<16xi32>
    tpu.vector_store %arg13[%swap3A_26], %swap3A_29 {strides = array<i32>} : memref<512xi32, #tpu.memory_space<vmem>>, vector<16xi32>,
    %add3A_30 = arith.constant 2 : i32
    %add3A_31 = vector.broadcast %add3A_30 : i32 to vector<16xi32>
    %add3A_32 = arith.addi %add3A_19, %add3A_31 : vector<16xi32>
    %swap3A_33 = arith.constant 0 : index
    %swap3A_34 = tpu.vector_load %arg14[%swap3A_33] {strides = array<i32>} : memref<512xi32, #tpu.memory_space<vmem>>, vector<16xi32>,
    %swap3A_35 = vector.shape_cast %swap3A_34 : vector<16xi32> to vector<16xi32>
    %swap3A_36 = vector.shape_cast %add3A_32 : vector<16xi32> to vector<16xi32>
    tpu.vector_store %arg14[%swap3A_33], %swap3A_36 {strides = array<i32>} : memref<512xi32, #tpu.memory_space<vmem>>, vector<16xi32>,
    %mul3A_37 = arith.constant 3 : i32
    %mul3A_38 = arith.muli %mul3A_37, %mul3A_2 : i32
    %add3A_39 = arith.constant 48 : i32
    %add3A_40 = arith.addi %mul3A_38, %add3A_39 : i32
    %add3A_41 = vector.broadcast %add3A_40 : i32 to vector<16xi32>
    %add3A_42 = arith.addi %mul3A_13, %add3A_41 : vector<16xi32>
    %swap3A_43 = arith.constant 16 : index
    %swap3A_44 = tpu.vector_load %arg12[%swap3A_43] {strides = array<i32>} : memref<512xi32, #tpu.memory_space<vmem>>, vector<16xi32>,
    %swap3A_45 = vector.shape_cast %swap3A_44 : vector<16xi32> to vector<16xi32>
    %swap3A_46 = vector.shape_cast %add3A_42 : vector<16xi32> to vector<16xi32>
    tpu.vector_store %arg12[%swap3A_43], %swap3A_46 {strides = array<i32>} : memref<512xi32, #tpu.memory_space<vmem>>, vector<16xi32>,
    %add3A_47 = arith.constant 1 : i32
    %add3A_48 = vector.broadcast %add3A_47 : i32 to vector<16xi32>
    %add3A_49 = arith.addi %add3A_42, %add3A_48 : vector<16xi32>
    %swap3A_50 = arith.constant 16 : index
    %swap3A_51 = tpu.vector_load %arg13[%swap3A_50] {strides = array<i32>} : memref<512xi32, #tpu.memory_space<vmem>>, vector<16xi32>,
    %swap3A_52 = vector.shape_cast %swap3A_51 : vector<16xi32> to vector<16xi32>
    %swap3A_53 = vector.shape_cast %add3A_49 : vector<16xi32> to vector<16xi32>
    tpu.vector_store %arg13[%swap3A_50], %swap3A_53 {strides = array<i32>} : memref<512xi32, #tpu.memory_space<vmem>>, vector<16xi32>,
    %add3A_54 = arith.constant 2 : i32
    %add3A_55 = vector.broadcast %add3A_54 : i32 to vector<16xi32>
    %add3A_56 = arith.addi %add3A_42, %add3A_55 : vector<16xi32>
    %swap3A_57 = arith.constant 16 : index
    %swap3A_58 = tpu.vector_load %arg14[%swap3A_57] {strides = array<i32>} : memref<512xi32, #tpu.memory_space<vmem>>, vector<16xi32>,
    %swap3A_59 = vector.shape_cast %swap3A_58 : vector<16xi32> to vector<16xi32>
    %swap3A_60 = vector.shape_cast %add3A_56 : vector<16xi32> to vector<16xi32>
    tpu.vector_store %arg14[%swap3A_57], %swap3A_60 {strides = array<i32>} : memref<512xi32, #tpu.memory_space<vmem>>, vector<16xi32>,
    %mul3A_61 = arith.constant 3 : i32
    %mul3A_62 = arith.muli %mul3A_61, %mul3A_2 : i32
    %add3A_63 = arith.constant 96 : i32
    %add3A_64 = arith.addi %mul3A_62, %add3A_63 : i32
    %add3A_65 = vector.broadcast %add3A_64 : i32 to vector<16xi32>
    %add3A_66 = arith.addi %mul3A_13, %add3A_65 : vector<16xi32>
    %swap3A_67 = arith.constant 32 : index
    %swap3A_68 = tpu.vector_load %arg12[%swap3A_67] {strides = array<i32>} : memref<512xi32, #tpu.memory_space<vmem>>, vector<16xi32>,
    %swap3A_69 = vector.shape_cast %swap3A_68 : vector<16xi32> to vector<16xi32>
    %swap3A_70 = vector.shape_cast %add3A_66 : vector<16xi32> to vector<16xi32>
    tpu.vector_store %arg12[%swap3A_67], %swap3A_70 {strides = array<i32>} : memref<512xi32, #tpu.memory_space<vmem>>, vector<16xi32>,
    %add3A_71 = arith.constant 1 : i32
    %add3A_72 = vector.broadcast %add3A_71 : i32 to vector<16xi32>
    %add3A_73 = arith.addi %add3A_66, %add3A_72 : vector<16xi32>
    %swap3A_74 = arith.constant 32 : index
    %swap3A_75 = tpu.vector_load %arg13[%swap3A_74] {strides = array<i32>} : memref<512xi32, #tpu.memory_space<vmem>>, vector<16xi32>,
    %swap3A_76 = vector.shape_cast %swap3A_75 : vector<16xi32> to vector<16xi32>
    %swap3A_77 = vector.shape_cast %add3A_73 : vector<16xi32> to vector<16xi32>
    tpu.vector_store %arg13[%swap3A_74], %swap3A_77 {strides = array<i32>} : memref<512xi32, #tpu.memory_space<vmem>>, vector<16xi32>,
    %add3A_78 = arith.constant 2 : i32
    %add3A_79 = vector.broadcast %add3A_78 : i32 to vector<16xi32>
    %add3A_80 = arith.addi %add3A_66, %add3A_79 : vector<16xi32>
    %swap3A_81 = arith.constant 32 : index
    %swap3A_82 = tpu.vector_load %arg14[%swap3A_81] {strides = array<i32>} : memref<512xi32, #tpu.memory_space<vmem>>, vector<16xi32>,
    %swap3A_83 = vector.shape_cast %swap3A_82 : vector<16xi32> to vector<16xi32>
    %swap3A_84 = vector.shape_cast %add3A_80 : vector<16xi32> to vector<16xi32>
    tpu.vector_store %arg14[%swap3A_81], %swap3A_84 {strides = array<i32>} : memref<512xi32, #tpu.memory_space<vmem>>, vector<16xi32>,
    %mul3A_85 = arith.constant 3 : i32
    %mul3A_86 = arith.muli %mul3A_85, %mul3A_2 : i32
    %add3A_87 = arith.constant 144 : i32
    %add3A_88 = arith.addi %mul3A_86, %add3A_87 : i32
    %add3A_89 = vector.broadcast %add3A_88 : i32 to vector<16xi32>
    %add3A_90 = arith.addi %mul3A_13, %add3A_89 : vector<16xi32>
    %swap3A_91 = arith.constant 48 : index
    %swap3A_92 = tpu.vector_load %arg12[%swap3A_91] {strides = array<i32>} : memref<512xi32, #tpu.memory_space<vmem>>, vector<16xi32>,
    %swap3A_93 = vector.shape_cast %swap3A_92 : vector<16xi32> to vector<16xi32>
    %swap3A_94 = vector.shape_cast %add3A_90 : vector<16xi32> to vector<16xi32>
    tpu.vector_store %arg12[%swap3A_91], %swap3A_94 {strides = array<i32>} : memref<512xi32, #tpu.memory_space<vmem>>, vector<16xi32>,
    %add3A_95 = arith.constant 1 : i32
    %add3A_96 = vector.broadcast %add3A_95 : i32 to vector<16xi32>
    %add3A_97 = arith.addi %add3A_90, %add3A_96 : vector<16xi32>
    %swap3A_98 = arith.constant 48 : index
    %swap3A_99 = tpu.vector_load %arg13[%swap3A_98] {strides = array<i32>} : memref<512xi32, #tpu.memory_space<vmem>>, vector<16xi32>,
    %swap3A_100 = vector.shape_cast %swap3A_99 : vector<16xi32> to vector<16xi32>
    %swap3A_101 = vector.shape_cast %add3A_97 : vector<16xi32> to vector<16xi32>
    tpu.vector_store %arg13[%swap3A_98], %swap3A_101 {strides = array<i32>} : memref<512xi32, #tpu.memory_space<vmem>>, vector<16xi32>,
    %add3A_102 = arith.constant 2 : i32
    %add3A_103 = vector.broadcast %add3A_102 : i32 to vector<16xi32>
    %add3A_104 = arith.addi %add3A_90, %add3A_103 : vector<16xi32>
    %swap3A_105 = arith.constant 48 : index
    %swap3A_106 = tpu.vector_load %arg14[%swap3A_105] {strides = array<i32>} : memref<512xi32, #tpu.memory_space<vmem>>, vector<16xi32>,
    %swap3A_107 = vector.shape_cast %swap3A_106 : vector<16xi32> to vector<16xi32>
    %swap3A_108 = vector.shape_cast %add3A_104 : vector<16xi32> to vector<16xi32>
    tpu.vector_store %arg14[%swap3A_105], %swap3A_108 {strides = array<i32>} : memref<512xi32, #tpu.memory_space<vmem>>, vector<16xi32>,
    %mul3A_109 = arith.constant 3 : i32
    %mul3A_110 = arith.muli %mul3A_109, %mul3A_2 : i32
    %add3A_111 = arith.constant 192 : i32
    %add3A_112 = arith.addi %mul3A_110, %add3A_111 : i32
    %add3A_113 = vector.broadcast %add3A_112 : i32 to vector<16xi32>
    %add3A_114 = arith.addi %mul3A_13, %add3A_113 : vector<16xi32>
    %swap3A_115 = arith.constant 64 : index
    %swap3A_116 = tpu.vector_load %arg12[%swap3A_115] {strides = array<i32>} : memref<512xi32, #tpu.memory_space<vmem>>, vector<16xi32>,
    %swap3A_117 = vector.shape_cast %swap3A_116 : vector<16xi32> to vector<16xi32>
    %swap3A_118 = vector.shape_cast %add3A_114 : vector<16xi32> to vector<16xi32>
    tpu.vector_store %arg12[%swap3A_115], %swap3A_118 {strides = array<i32>} : memref<512xi32, #tpu.memory_space<vmem>>, vector<16xi32>,
    %add3A_119 = arith.constant 1 : i32
    %add3A_120 = vector.broadcast %add3A_119 : i32 to vector<16xi32>
    %add3A_121 = arith.addi %add3A_114, %add3A_120 : vector<16xi32>
    %swap3A_122 = arith.constant 64 : index
    %swap3A_123 = tpu.vector_load %arg13[%swap3A_122] {strides = array<i32>} : memref<512xi32, #tpu.memory_space<vmem>>, vector<16xi32>,
    %swap3A_124 = vector.shape_cast %swap3A_123 : vector<16xi32> to vector<16xi32>
    %swap3A_125 = vector.shape_cast %add3A_121 : vector<16xi32> to vector<16xi32>
    tpu.vector_store %arg13[%swap3A_122], %swap3A_125 {strides = array<i32>} : memref<512xi32, #tpu.memory_space<vmem>>, vector<16xi32>,
    %add3A_126 = arith.constant 2 : i32
    %add3A_127 = vector.broadcast %add3A_126 : i32 to vector<16xi32>
    %add3A_128 = arith.addi %add3A_114, %add3A_127 : vector<16xi32>
    %swap3A_129 = arith.constant 64 : index
    %swap3A_130 = tpu.vector_load %arg14[%swap3A_129] {strides = array<i32>} : memref<512xi32, #tpu.memory_space<vmem>>, vector<16xi32>,
    %swap3A_131 = vector.shape_cast %swap3A_130 : vector<16xi32> to vector<16xi32>
    %swap3A_132 = vector.shape_cast %add3A_128 : vector<16xi32> to vector<16xi32>
    tpu.vector_store %arg14[%swap3A_129], %swap3A_132 {strides = array<i32>} : memref<512xi32, #tpu.memory_space<vmem>>, vector<16xi32>,
    %mul3A_133 = arith.constant 3 : i32
    %mul3A_134 = arith.muli %mul3A_133, %mul3A_2 : i32
    %add3A_135 = arith.constant 240 : i32
    %add3A_136 = arith.addi %mul3A_134, %add3A_135 : i32
    %add3A_137 = vector.broadcast %add3A_136 : i32 to vector<16xi32>
    %add3A_138 = arith.addi %mul3A_13, %add3A_137 : vector<16xi32>
    %swap3A_139 = arith.constant 80 : index
    %swap3A_140 = tpu.vector_load %arg12[%swap3A_139] {strides = array<i32>} : memref<512xi32, #tpu.memory_space<vmem>>, vector<16xi32>,
    %swap3A_141 = vector.shape_cast %swap3A_140 : vector<16xi32> to vector<16xi32>
    %swap3A_142 = vector.shape_cast %add3A_138 : vector<16xi32> to vector<16xi32>
    tpu.vector_store %arg12[%swap3A_139], %swap3A_142 {strides = array<i32>} : memref<512xi32, #tpu.memory_space<vmem>>, vector<16xi32>,
    %add3A_143 = arith.constant 1 : i32
    %add3A_144 = vector.broadcast %add3A_143 : i32 to vector<16xi32>
    %add3A_145 = arith.addi %add3A_138, %add3A_144 : vector<16xi32>
    %swap3A_146 = arith.constant 80 : index
    %swap3A_147 = tpu.vector_load %arg13[%swap3A_146] {strides = array<i32>} : memref<512xi32, #tpu.memory_space<vmem>>, vector<16xi32>,
    %swap3A_148 = vector.shape_cast %swap3A_147 : vector<16xi32> to vector<16xi32>
    %swap3A_149 = vector.shape_cast %add3A_145 : vector<16xi32> to vector<16xi32>
    tpu.vector_store %arg13[%swap3A_146], %swap3A_149 {strides = array<i32>} : memref<512xi32, #tpu.memory_space<vmem>>, vector<16xi32>,
    %add3A_150 = arith.constant 2 : i32
    %add3A_151 = vector.broadcast %add3A_150 : i32 to vector<16xi32>
    %add3A_152 = arith.addi %add3A_138, %add3A_151 : vector<16xi32>
    %swap3A_153 = arith.constant 80 : index
    %swap3A_154 = tpu.vector_load %arg14[%swap3A_153] {strides = array<i32>} : memref<512xi32, #tpu.memory_space<vmem>>, vector<16xi32>,
    %swap3A_155 = vector.shape_cast %swap3A_154 : vector<16xi32> to vector<16xi32>
    %swap3A_156 = vector.shape_cast %add3A_152 : vector<16xi32> to vector<16xi32>
    tpu.vector_store %arg14[%swap3A_153], %swap3A_156 {strides = array<i32>} : memref<512xi32, #tpu.memory_space<vmem>>, vector<16xi32>,
    %mul3A_157 = arith.constant 3 : i32
    %mul3A_158 = arith.muli %mul3A_157, %mul3A_2 : i32
    %add3A_159 = arith.constant 288 : i32
    %add3A_160 = arith.addi %mul3A_158, %add3A_159 : i32
    %add3A_161 = vector.broadcast %add3A_160 : i32 to vector<16xi32>
    %add3A_162 = arith.addi %mul3A_13, %add3A_161 : vector<16xi32>
    %swap3A_163 = arith.constant 96 : index
    %swap3A_164 = tpu.vector_load %arg12[%swap3A_163] {strides = array<i32>} : memref<512xi32, #tpu.memory_space<vmem>>, vector<16xi32>,
    %swap3A_165 = vector.shape_cast %swap3A_164 : vector<16xi32> to vector<16xi32>
    %swap3A_166 = vector.shape_cast %add3A_162 : vector<16xi32> to vector<16xi32>
    tpu.vector_store %arg12[%swap3A_163], %swap3A_166 {strides = array<i32>} : memref<512xi32, #tpu.memory_space<vmem>>, vector<16xi32>,
    %add3A_167 = arith.constant 1 : i32
    %add3A_168 = vector.broadcast %add3A_167 : i32 to vector<16xi32>
    %add3A_169 = arith.addi %add3A_162, %add3A_168 : vector<16xi32>
    %swap3A_170 = arith.constant 96 : index
    %swap3A_171 = tpu.vector_load %arg13[%swap3A_170] {strides = array<i32>} : memref<512xi32, #tpu.memory_space<vmem>>, vector<16xi32>,
    %swap3A_172 = vector.shape_cast %swap3A_171 : vector<16xi32> to vector<16xi32>
    %swap3A_173 = vector.shape_cast %add3A_169 : vector<16xi32> to vector<16xi32>
    tpu.vector_store %arg13[%swap3A_170], %swap3A_173 {strides = array<i32>} : memref<512xi32, #tpu.memory_space<vmem>>, vector<16xi32>,
    %add3A_174 = arith.constant 2 : i32
    %add3A_175 = vector.broadcast %add3A_174 : i32 to vector<16xi32>
    %add3A_176 = arith.addi %add3A_162, %add3A_175 : vector<16xi32>
    %swap3A_177 = arith.constant 96 : index
    %swap3A_178 = tpu.vector_load %arg14[%swap3A_177] {strides = array<i32>} : memref<512xi32, #tpu.memory_space<vmem>>, vector<16xi32>,
    %swap3A_179 = vector.shape_cast %swap3A_178 : vector<16xi32> to vector<16xi32>
    %swap3A_180 = vector.shape_cast %add3A_176 : vector<16xi32> to vector<16xi32>
    tpu.vector_store %arg14[%swap3A_177], %swap3A_180 {strides = array<i32>} : memref<512xi32, #tpu.memory_space<vmem>>, vector<16xi32>,
    %mul3A_181 = arith.constant 3 : i32
    %mul3A_182 = arith.muli %mul3A_181, %mul3A_2 : i32
    %add3A_183 = arith.constant 336 : i32
    %add3A_184 = arith.addi %mul3A_182, %add3A_183 : i32
    %add3A_185 = vector.broadcast %add3A_184 : i32 to vector<16xi32>
    %add3A_186 = arith.addi %mul3A_13, %add3A_185 : vector<16xi32>
    %swap3A_187 = arith.constant 112 : index
    %swap3A_188 = tpu.vector_load %arg12[%swap3A_187] {strides = array<i32>} : memref<512xi32, #tpu.memory_space<vmem>>, vector<16xi32>,
    %swap3A_189 = vector.shape_cast %swap3A_188 : vector<16xi32> to vector<16xi32>
    %swap3A_190 = vector.shape_cast %add3A_186 : vector<16xi32> to vector<16xi32>
    tpu.vector_store %arg12[%swap3A_187], %swap3A_190 {strides = array<i32>} : memref<512xi32, #tpu.memory_space<vmem>>, vector<16xi32>,
    %add3A_191 = arith.constant 1 : i32
    %add3A_192 = vector.broadcast %add3A_191 : i32 to vector<16xi32>
    %add3A_193 = arith.addi %add3A_186, %add3A_192 : vector<16xi32>
    %swap3A_194 = arith.constant 112 : index
    %swap3A_195 = tpu.vector_load %arg13[%swap3A_194] {strides = array<i32>} : memref<512xi32, #tpu.memory_space<vmem>>, vector<16xi32>,
    %swap3A_196 = vector.shape_cast %swap3A_195 : vector<16xi32> to vector<16xi32>
    %swap3A_197 = vector.shape_cast %add3A_193 : vector<16xi32> to vector<16xi32>
    tpu.vector_store %arg13[%swap3A_194], %swap3A_197 {strides = array<i32>} : memref<512xi32, #tpu.memory_space<vmem>>, vector<16xi32>,
    %add3A_198 = arith.constant 2 : i32
    %add3A_199 = vector.broadcast %add3A_198 : i32 to vector<16xi32>
    %add3A_200 = arith.addi %add3A_186, %add3A_199 : vector<16xi32>
    %swap3A_201 = arith.constant 112 : index
    %swap3A_202 = tpu.vector_load %arg14[%swap3A_201] {strides = array<i32>} : memref<512xi32, #tpu.memory_space<vmem>>, vector<16xi32>,
    %swap3A_203 = vector.shape_cast %swap3A_202 : vector<16xi32> to vector<16xi32>
    %swap3A_204 = vector.shape_cast %add3A_200 : vector<16xi32> to vector<16xi32>
    tpu.vector_store %arg14[%swap3A_201], %swap3A_204 {strides = array<i32>} : memref<512xi32, #tpu.memory_space<vmem>>, vector<16xi32>,
    %mul3A_205 = arith.constant 3 : i32
    %mul3A_206 = arith.muli %mul3A_205, %mul3A_2 : i32
    %add3A_207 = arith.constant 384 : i32
    %add3A_208 = arith.addi %mul3A_206, %add3A_207 : i32
    %add3A_209 = vector.broadcast %add3A_208 : i32 to vector<16xi32>
    %add3A_210 = arith.addi %mul3A_13, %add3A_209 : vector<16xi32>
    %swap3A_211 = arith.constant 128 : index
    %swap3A_212 = tpu.vector_load %arg12[%swap3A_211] {strides = array<i32>} : memref<512xi32, #tpu.memory_space<vmem>>, vector<16xi32>,
    %swap3A_213 = vector.shape_cast %swap3A_212 : vector<16xi32> to vector<16xi32>
    %swap3A_214 = vector.shape_cast %add3A_210 : vector<16xi32> to vector<16xi32>
    tpu.vector_store %arg12[%swap3A_211], %swap3A_214 {strides = array<i32>} : memref<512xi32, #tpu.memory_space<vmem>>, vector<16xi32>,
    %add3A_215 = arith.constant 1 : i32
    %add3A_216 = vector.broadcast %add3A_215 : i32 to vector<16xi32>
    %add3A_217 = arith.addi %add3A_210, %add3A_216 : vector<16xi32>
    %swap3A_218 = arith.constant 128 : index
    %swap3A_219 = tpu.vector_load %arg13[%swap3A_218] {strides = array<i32>} : memref<512xi32, #tpu.memory_space<vmem>>, vector<16xi32>,
    %swap3A_220 = vector.shape_cast %swap3A_219 : vector<16xi32> to vector<16xi32>
    %swap3A_221 = vector.shape_cast %add3A_217 : vector<16xi32> to vector<16xi32>
    tpu.vector_store %arg13[%swap3A_218], %swap3A_221 {strides = array<i32>} : memref<512xi32, #tpu.memory_space<vmem>>, vector<16xi32>,
    %add3A_222 = arith.constant 2 : i32
    %add3A_223 = vector.broadcast %add3A_222 : i32 to vector<16xi32>
    %add3A_224 = arith.addi %add3A_210, %add3A_223 : vector<16xi32>
    %swap3A_225 = arith.constant 128 : index
    %swap3A_226 = tpu.vector_load %arg14[%swap3A_225] {strides = array<i32>} : memref<512xi32, #tpu.memory_space<vmem>>, vector<16xi32>,
    %swap3A_227 = vector.shape_cast %swap3A_226 : vector<16xi32> to vector<16xi32>
    %swap3A_228 = vector.shape_cast %add3A_224 : vector<16xi32> to vector<16xi32>
    tpu.vector_store %arg14[%swap3A_225], %swap3A_228 {strides = array<i32>} : memref<512xi32, #tpu.memory_space<vmem>>, vector<16xi32>,
    %mul3A_229 = arith.constant 3 : i32
    %mul3A_230 = arith.muli %mul3A_229, %mul3A_2 : i32
    %add3A_231 = arith.constant 432 : i32
    %add3A_232 = arith.addi %mul3A_230, %add3A_231 : i32
    %add3A_233 = vector.broadcast %add3A_232 : i32 to vector<16xi32>
    %add3A_234 = arith.addi %mul3A_13, %add3A_233 : vector<16xi32>
    %swap3A_235 = arith.constant 144 : index
    %swap3A_236 = tpu.vector_load %arg12[%swap3A_235] {strides = array<i32>} : memref<512xi32, #tpu.memory_space<vmem>>, vector<16xi32>,
    %swap3A_237 = vector.shape_cast %swap3A_236 : vector<16xi32> to vector<16xi32>
    %swap3A_238 = vector.shape_cast %add3A_234 : vector<16xi32> to vector<16xi32>
    tpu.vector_store %arg12[%swap3A_235], %swap3A_238 {strides = array<i32>} : memref<512xi32, #tpu.memory_space<vmem>>, vector<16xi32>,
    %add3A_239 = arith.constant 1 : i32
    %add3A_240 = vector.broadcast %add3A_239 : i32 to vector<16xi32>
    %add3A_241 = arith.addi %add3A_234, %add3A_240 : vector<16xi32>
    %swap3A_242 = arith.constant 144 : index
    %swap3A_243 = tpu.vector_load %arg13[%swap3A_242] {strides = array<i32>} : memref<512xi32, #tpu.memory_space<vmem>>, vector<16xi32>,
    %swap3A_244 = vector.shape_cast %swap3A_243 : vector<16xi32> to vector<16xi32>
    %swap3A_245 = vector.shape_cast %add3A_241 : vector<16xi32> to vector<16xi32>
    tpu.vector_store %arg13[%swap3A_242], %swap3A_245 {strides = array<i32>} : memref<512xi32, #tpu.memory_space<vmem>>, vector<16xi32>,
    %add3A_246 = arith.constant 2 : i32
    %add3A_247 = vector.broadcast %add3A_246 : i32 to vector<16xi32>
    %add3A_248 = arith.addi %add3A_234, %add3A_247 : vector<16xi32>
    %swap3A_249 = arith.constant 144 : index
    %swap3A_250 = tpu.vector_load %arg14[%swap3A_249] {strides = array<i32>} : memref<512xi32, #tpu.memory_space<vmem>>, vector<16xi32>,
    %swap3A_251 = vector.shape_cast %swap3A_250 : vector<16xi32> to vector<16xi32>
    %swap3A_252 = vector.shape_cast %add3A_248 : vector<16xi32> to vector<16xi32>
    tpu.vector_store %arg14[%swap3A_249], %swap3A_252 {strides = array<i32>} : memref<512xi32, #tpu.memory_space<vmem>>, vector<16xi32>,
    %mul3A_253 = arith.constant 3 : i32
    %mul3A_254 = arith.muli %mul3A_253, %mul3A_2 : i32
    %add3A_255 = arith.constant 480 : i32
    %add3A_256 = arith.addi %mul3A_254, %add3A_255 : i32
    %add3A_257 = vector.broadcast %add3A_256 : i32 to vector<16xi32>
    %add3A_258 = arith.addi %mul3A_13, %add3A_257 : vector<16xi32>
    %swap3A_259 = arith.constant 160 : index
    %swap3A_260 = tpu.vector_load %arg12[%swap3A_259] {strides = array<i32>} : memref<512xi32, #tpu.memory_space<vmem>>, vector<16xi32>,
    %swap3A_261 = vector.shape_cast %swap3A_260 : vector<16xi32> to vector<16xi32>
    %swap3A_262 = vector.shape_cast %add3A_258 : vector<16xi32> to vector<16xi32>
    tpu.vector_store %arg12[%swap3A_259], %swap3A_262 {strides = array<i32>} : memref<512xi32, #tpu.memory_space<vmem>>, vector<16xi32>,
    %add3A_263 = arith.constant 1 : i32
    %add3A_264 = vector.broadcast %add3A_263 : i32 to vector<16xi32>
    %add3A_265 = arith.addi %add3A_258, %add3A_264 : vector<16xi32>
    %swap3A_266 = arith.constant 160 : index
    %swap3A_267 = tpu.vector_load %arg13[%swap3A_266] {strides = array<i32>} : memref<512xi32, #tpu.memory_space<vmem>>, vector<16xi32>,
    %swap3A_268 = vector.shape_cast %swap3A_267 : vector<16xi32> to vector<16xi32>
    %swap3A_269 = vector.shape_cast %add3A_265 : vector<16xi32> to vector<16xi32>
    tpu.vector_store %arg13[%swap3A_266], %swap3A_269 {strides = array<i32>} : memref<512xi32, #tpu.memory_space<vmem>>, vector<16xi32>,
    %add3A_270 = arith.constant 2 : i32
    %add3A_271 = vector.broadcast %add3A_270 : i32 to vector<16xi32>
    %add3A_272 = arith.addi %add3A_258, %add3A_271 : vector<16xi32>
    %swap3A_273 = arith.constant 160 : index
    %swap3A_274 = tpu.vector_load %arg14[%swap3A_273] {strides = array<i32>} : memref<512xi32, #tpu.memory_space<vmem>>, vector<16xi32>,
    %swap3A_275 = vector.shape_cast %swap3A_274 : vector<16xi32> to vector<16xi32>
    %swap3A_276 = vector.shape_cast %add3A_272 : vector<16xi32> to vector<16xi32>
    tpu.vector_store %arg14[%swap3A_273], %swap3A_276 {strides = array<i32>} : memref<512xi32, #tpu.memory_space<vmem>>, vector<16xi32>,
    %mul3A_277 = arith.constant 3 : i32
    %mul3A_278 = arith.muli %mul3A_277, %mul3A_2 : i32
    %add3A_279 = arith.constant 528 : i32
    %add3A_280 = arith.addi %mul3A_278, %add3A_279 : i32
    %add3A_281 = vector.broadcast %add3A_280 : i32 to vector<16xi32>
    %add3A_282 = arith.addi %mul3A_13, %add3A_281 : vector<16xi32>
    %swap3A_283 = arith.constant 176 : index
    %swap3A_284 = tpu.vector_load %arg12[%swap3A_283] {strides = array<i32>} : memref<512xi32, #tpu.memory_space<vmem>>, vector<16xi32>,
    %swap3A_285 = vector.shape_cast %swap3A_284 : vector<16xi32> to vector<16xi32>
    %swap3A_286 = vector.shape_cast %add3A_282 : vector<16xi32> to vector<16xi32>
    tpu.vector_store %arg12[%swap3A_283], %swap3A_286 {strides = array<i32>} : memref<512xi32, #tpu.memory_space<vmem>>, vector<16xi32>,
    %add3A_287 = arith.constant 1 : i32
    %add3A_288 = vector.broadcast %add3A_287 : i32 to vector<16xi32>
    %add3A_289 = arith.addi %add3A_282, %add3A_288 : vector<16xi32>
    %swap3A_290 = arith.constant 176 : index
    %swap3A_291 = tpu.vector_load %arg13[%swap3A_290] {strides = array<i32>} : memref<512xi32, #tpu.memory_space<vmem>>, vector<16xi32>,
    %swap3A_292 = vector.shape_cast %swap3A_291 : vector<16xi32> to vector<16xi32>
    %swap3A_293 = vector.shape_cast %add3A_289 : vector<16xi32> to vector<16xi32>
    tpu.vector_store %arg13[%swap3A_290], %swap3A_293 {strides = array<i32>} : memref<512xi32, #tpu.memory_space<vmem>>, vector<16xi32>,
    %add3A_294 = arith.constant 2 : i32
    %add3A_295 = vector.broadcast %add3A_294 : i32 to vector<16xi32>
    %add3A_296 = arith.addi %add3A_282, %add3A_295 : vector<16xi32>
    %swap3A_297 = arith.constant 176 : index
    %swap3A_298 = tpu.vector_load %arg14[%swap3A_297] {strides = array<i32>} : memref<512xi32, #tpu.memory_space<vmem>>, vector<16xi32>,
    %swap3A_299 = vector.shape_cast %swap3A_298 : vector<16xi32> to vector<16xi32>
    %swap3A_300 = vector.shape_cast %add3A_296 : vector<16xi32> to vector<16xi32>
    tpu.vector_store %arg14[%swap3A_297], %swap3A_300 {strides = array<i32>} : memref<512xi32, #tpu.memory_space<vmem>>, vector<16xi32>,
    %mul3A_301 = arith.constant 3 : i32
    %mul3A_302 = arith.muli %mul3A_301, %mul3A_2 : i32
    %add3A_303 = arith.constant 576 : i32
    %add3A_304 = arith.addi %mul3A_302, %add3A_303 : i32
    %add3A_305 = vector.broadcast %add3A_304 : i32 to vector<16xi32>
    %add3A_306 = arith.addi %mul3A_13, %add3A_305 : vector<16xi32>
    %swap3A_307 = arith.constant 192 : index
    %swap3A_308 = tpu.vector_load %arg12[%swap3A_307] {strides = array<i32>} : memref<512xi32, #tpu.memory_space<vmem>>, vector<16xi32>,
    %swap3A_309 = vector.shape_cast %swap3A_308 : vector<16xi32> to vector<16xi32>
    %swap3A_310 = vector.shape_cast %add3A_306 : vector<16xi32> to vector<16xi32>
    tpu.vector_store %arg12[%swap3A_307], %swap3A_310 {strides = array<i32>} : memref<512xi32, #tpu.memory_space<vmem>>, vector<16xi32>,
    %add3A_311 = arith.constant 1 : i32
    %add3A_312 = vector.broadcast %add3A_311 : i32 to vector<16xi32>
    %add3A_313 = arith.addi %add3A_306, %add3A_312 : vector<16xi32>
    %swap3A_314 = arith.constant 192 : index
    %swap3A_315 = tpu.vector_load %arg13[%swap3A_314] {strides = array<i32>} : memref<512xi32, #tpu.memory_space<vmem>>, vector<16xi32>,
    %swap3A_316 = vector.shape_cast %swap3A_315 : vector<16xi32> to vector<16xi32>
    %swap3A_317 = vector.shape_cast %add3A_313 : vector<16xi32> to vector<16xi32>
    tpu.vector_store %arg13[%swap3A_314], %swap3A_317 {strides = array<i32>} : memref<512xi32, #tpu.memory_space<vmem>>, vector<16xi32>,
    %add3A_318 = arith.constant 2 : i32
    %add3A_319 = vector.broadcast %add3A_318 : i32 to vector<16xi32>
    %add3A_320 = arith.addi %add3A_306, %add3A_319 : vector<16xi32>
    %swap3A_321 = arith.constant 192 : index
    %swap3A_322 = tpu.vector_load %arg14[%swap3A_321] {strides = array<i32>} : memref<512xi32, #tpu.memory_space<vmem>>, vector<16xi32>,
    %swap3A_323 = vector.shape_cast %swap3A_322 : vector<16xi32> to vector<16xi32>
    %swap3A_324 = vector.shape_cast %add3A_320 : vector<16xi32> to vector<16xi32>
    tpu.vector_store %arg14[%swap3A_321], %swap3A_324 {strides = array<i32>} : memref<512xi32, #tpu.memory_space<vmem>>, vector<16xi32>,
    %mul3A_325 = arith.constant 3 : i32
    %mul3A_326 = arith.muli %mul3A_325, %mul3A_2 : i32
    %add3A_327 = arith.constant 624 : i32
    %add3A_328 = arith.addi %mul3A_326, %add3A_327 : i32
    %add3A_329 = vector.broadcast %add3A_328 : i32 to vector<16xi32>
    %add3A_330 = arith.addi %mul3A_13, %add3A_329 : vector<16xi32>
    %swap3A_331 = arith.constant 208 : index
    %swap3A_332 = tpu.vector_load %arg12[%swap3A_331] {strides = array<i32>} : memref<512xi32, #tpu.memory_space<vmem>>, vector<16xi32>,
    %swap3A_333 = vector.shape_cast %swap3A_332 : vector<16xi32> to vector<16xi32>
    %swap3A_334 = vector.shape_cast %add3A_330 : vector<16xi32> to vector<16xi32>
    tpu.vector_store %arg12[%swap3A_331], %swap3A_334 {strides = array<i32>} : memref<512xi32, #tpu.memory_space<vmem>>, vector<16xi32>,
    %add3A_335 = arith.constant 1 : i32
    %add3A_336 = vector.broadcast %add3A_335 : i32 to vector<16xi32>
    %add3A_337 = arith.addi %add3A_330, %add3A_336 : vector<16xi32>
    %swap3A_338 = arith.constant 208 : index
    %swap3A_339 = tpu.vector_load %arg13[%swap3A_338] {strides = array<i32>} : memref<512xi32, #tpu.memory_space<vmem>>, vector<16xi32>,
    %swap3A_340 = vector.shape_cast %swap3A_339 : vector<16xi32> to vector<16xi32>
    %swap3A_341 = vector.shape_cast %add3A_337 : vector<16xi32> to vector<16xi32>
    tpu.vector_store %arg13[%swap3A_338], %swap3A_341 {strides = array<i32>} : memref<512xi32, #tpu.memory_space<vmem>>, vector<16xi32>,
    %add3A_342 = arith.constant 2 : i32
    %add3A_343 = vector.broadcast %add3A_342 : i32 to vector<16xi32>
    %add3A_344 = arith.addi %add3A_330, %add3A_343 : vector<16xi32>
    %swap3A_345 = arith.constant 208 : index
    %swap3A_346 = tpu.vector_load %arg14[%swap3A_345] {strides = array<i32>} : memref<512xi32, #tpu.memory_space<vmem>>, vector<16xi32>,
    %swap3A_347 = vector.shape_cast %swap3A_346 : vector<16xi32> to vector<16xi32>
    %swap3A_348 = vector.shape_cast %add3A_344 : vector<16xi32> to vector<16xi32>
    tpu.vector_store %arg14[%swap3A_345], %swap3A_348 {strides = array<i32>} : memref<512xi32, #tpu.memory_space<vmem>>, vector<16xi32>,
    %mul3A_349 = arith.constant 3 : i32
    %mul3A_350 = arith.muli %mul3A_349, %mul3A_2 : i32
    %add3A_351 = arith.constant 672 : i32
    %add3A_352 = arith.addi %mul3A_350, %add3A_351 : i32
    %add3A_353 = vector.broadcast %add3A_352 : i32 to vector<16xi32>
    %add3A_354 = arith.addi %mul3A_13, %add3A_353 : vector<16xi32>
    %swap3A_355 = arith.constant 224 : index
    %swap3A_356 = tpu.vector_load %arg12[%swap3A_355] {strides = array<i32>} : memref<512xi32, #tpu.memory_space<vmem>>, vector<16xi32>,
    %swap3A_357 = vector.shape_cast %swap3A_356 : vector<16xi32> to vector<16xi32>
    %swap3A_358 = vector.shape_cast %add3A_354 : vector<16xi32> to vector<16xi32>
    tpu.vector_store %arg12[%swap3A_355], %swap3A_358 {strides = array<i32>} : memref<512xi32, #tpu.memory_space<vmem>>, vector<16xi32>,
    %add3A_359 = arith.constant 1 : i32
    %add3A_360 = vector.broadcast %add3A_359 : i32 to vector<16xi32>
    %add3A_361 = arith.addi %add3A_354, %add3A_360 : vector<16xi32>
    %swap3A_362 = arith.constant 224 : index
    %swap3A_363 = tpu.vector_load %arg13[%swap3A_362] {strides = array<i32>} : memref<512xi32, #tpu.memory_space<vmem>>, vector<16xi32>,
    %swap3A_364 = vector.shape_cast %swap3A_363 : vector<16xi32> to vector<16xi32>
    %swap3A_365 = vector.shape_cast %add3A_361 : vector<16xi32> to vector<16xi32>
    tpu.vector_store %arg13[%swap3A_362], %swap3A_365 {strides = array<i32>} : memref<512xi32, #tpu.memory_space<vmem>>, vector<16xi32>,
    %add3A_366 = arith.constant 2 : i32
    %add3A_367 = vector.broadcast %add3A_366 : i32 to vector<16xi32>
    %add3A_368 = arith.addi %add3A_354, %add3A_367 : vector<16xi32>
    %swap3A_369 = arith.constant 224 : index
    %swap3A_370 = tpu.vector_load %arg14[%swap3A_369] {strides = array<i32>} : memref<512xi32, #tpu.memory_space<vmem>>, vector<16xi32>,
    %swap3A_371 = vector.shape_cast %swap3A_370 : vector<16xi32> to vector<16xi32>
    %swap3A_372 = vector.shape_cast %add3A_368 : vector<16xi32> to vector<16xi32>
    tpu.vector_store %arg14[%swap3A_369], %swap3A_372 {strides = array<i32>} : memref<512xi32, #tpu.memory_space<vmem>>, vector<16xi32>,
    %mul3A_373 = arith.constant 3 : i32
    %mul3A_374 = arith.muli %mul3A_373, %mul3A_2 : i32
    %add3A_375 = arith.constant 720 : i32
    %add3A_376 = arith.addi %mul3A_374, %add3A_375 : i32
    %add3A_377 = vector.broadcast %add3A_376 : i32 to vector<16xi32>
    %add3A_378 = arith.addi %mul3A_13, %add3A_377 : vector<16xi32>
    %swap3A_379 = arith.constant 240 : index
    %swap3A_380 = tpu.vector_load %arg12[%swap3A_379] {strides = array<i32>} : memref<512xi32, #tpu.memory_space<vmem>>, vector<16xi32>,
    %swap3A_381 = vector.shape_cast %swap3A_380 : vector<16xi32> to vector<16xi32>
    %swap3A_382 = vector.shape_cast %add3A_378 : vector<16xi32> to vector<16xi32>
    tpu.vector_store %arg12[%swap3A_379], %swap3A_382 {strides = array<i32>} : memref<512xi32, #tpu.memory_space<vmem>>, vector<16xi32>,
    %add3A_383 = arith.constant 1 : i32
    %add3A_384 = vector.broadcast %add3A_383 : i32 to vector<16xi32>
    %add3A_385 = arith.addi %add3A_378, %add3A_384 : vector<16xi32>
    %swap3A_386 = arith.constant 240 : index
    %swap3A_387 = tpu.vector_load %arg13[%swap3A_386] {strides = array<i32>} : memref<512xi32, #tpu.memory_space<vmem>>, vector<16xi32>,
    %swap3A_388 = vector.shape_cast %swap3A_387 : vector<16xi32> to vector<16xi32>
    %swap3A_389 = vector.shape_cast %add3A_385 : vector<16xi32> to vector<16xi32>
    tpu.vector_store %arg13[%swap3A_386], %swap3A_389 {strides = array<i32>} : memref<512xi32, #tpu.memory_space<vmem>>, vector<16xi32>,
    %add3A_390 = arith.constant 2 : i32
    %add3A_391 = vector.broadcast %add3A_390 : i32 to vector<16xi32>
    %add3A_392 = arith.addi %add3A_378, %add3A_391 : vector<16xi32>
    %swap3A_393 = arith.constant 240 : index
    %swap3A_394 = tpu.vector_load %arg14[%swap3A_393] {strides = array<i32>} : memref<512xi32, #tpu.memory_space<vmem>>, vector<16xi32>,
    %swap3A_395 = vector.shape_cast %swap3A_394 : vector<16xi32> to vector<16xi32>
    %swap3A_396 = vector.shape_cast %add3A_392 : vector<16xi32> to vector<16xi32>
    tpu.vector_store %arg14[%swap3A_393], %swap3A_396 {strides = array<i32>} : memref<512xi32, #tpu.memory_space<vmem>>, vector<16xi32>,
    %mul3A_397 = arith.constant 3 : i32
    %mul3A_398 = arith.muli %mul3A_397, %mul3A_2 : i32
    %add3A_399 = arith.constant 768 : i32
    %add3A_400 = arith.addi %mul3A_398, %add3A_399 : i32
    %add3A_401 = vector.broadcast %add3A_400 : i32 to vector<16xi32>
    %add3A_402 = arith.addi %mul3A_13, %add3A_401 : vector<16xi32>
    %swap3A_403 = arith.constant 256 : index
    %swap3A_404 = tpu.vector_load %arg12[%swap3A_403] {strides = array<i32>} : memref<512xi32, #tpu.memory_space<vmem>>, vector<16xi32>,
    %swap3A_405 = vector.shape_cast %swap3A_404 : vector<16xi32> to vector<16xi32>
    %swap3A_406 = vector.shape_cast %add3A_402 : vector<16xi32> to vector<16xi32>
    tpu.vector_store %arg12[%swap3A_403], %swap3A_406 {strides = array<i32>} : memref<512xi32, #tpu.memory_space<vmem>>, vector<16xi32>,
    %add3A_407 = arith.constant 1 : i32
    %add3A_408 = vector.broadcast %add3A_407 : i32 to vector<16xi32>
    %add3A_409 = arith.addi %add3A_402, %add3A_408 : vector<16xi32>
    %swap3A_410 = arith.constant 256 : index
    %swap3A_411 = tpu.vector_load %arg13[%swap3A_410] {strides = array<i32>} : memref<512xi32, #tpu.memory_space<vmem>>, vector<16xi32>,
    %swap3A_412 = vector.shape_cast %swap3A_411 : vector<16xi32> to vector<16xi32>
    %swap3A_413 = vector.shape_cast %add3A_409 : vector<16xi32> to vector<16xi32>
    tpu.vector_store %arg13[%swap3A_410], %swap3A_413 {strides = array<i32>} : memref<512xi32, #tpu.memory_space<vmem>>, vector<16xi32>,
    %add3A_414 = arith.constant 2 : i32
    %add3A_415 = vector.broadcast %add3A_414 : i32 to vector<16xi32>
    %add3A_416 = arith.addi %add3A_402, %add3A_415 : vector<16xi32>
    %swap3A_417 = arith.constant 256 : index
    %swap3A_418 = tpu.vector_load %arg14[%swap3A_417] {strides = array<i32>} : memref<512xi32, #tpu.memory_space<vmem>>, vector<16xi32>,
    %swap3A_419 = vector.shape_cast %swap3A_418 : vector<16xi32> to vector<16xi32>
    %swap3A_420 = vector.shape_cast %add3A_416 : vector<16xi32> to vector<16xi32>
    tpu.vector_store %arg14[%swap3A_417], %swap3A_420 {strides = array<i32>} : memref<512xi32, #tpu.memory_space<vmem>>, vector<16xi32>,
    %mul3A_421 = arith.constant 3 : i32
    %mul3A_422 = arith.muli %mul3A_421, %mul3A_2 : i32
    %add3A_423 = arith.constant 816 : i32
    %add3A_424 = arith.addi %mul3A_422, %add3A_423 : i32
    %add3A_425 = vector.broadcast %add3A_424 : i32 to vector<16xi32>
    %add3A_426 = arith.addi %mul3A_13, %add3A_425 : vector<16xi32>
    %swap3A_427 = arith.constant 272 : index
    %swap3A_428 = tpu.vector_load %arg12[%swap3A_427] {strides = array<i32>} : memref<512xi32, #tpu.memory_space<vmem>>, vector<16xi32>,
    %swap3A_429 = vector.shape_cast %swap3A_428 : vector<16xi32> to vector<16xi32>
    %swap3A_430 = vector.shape_cast %add3A_426 : vector<16xi32> to vector<16xi32>
    tpu.vector_store %arg12[%swap3A_427], %swap3A_430 {strides = array<i32>} : memref<512xi32, #tpu.memory_space<vmem>>, vector<16xi32>,
    %add3A_431 = arith.constant 1 : i32
    %add3A_432 = vector.broadcast %add3A_431 : i32 to vector<16xi32>
    %add3A_433 = arith.addi %add3A_426, %add3A_432 : vector<16xi32>
    %swap3A_434 = arith.constant 272 : index
    %swap3A_435 = tpu.vector_load %arg13[%swap3A_434] {strides = array<i32>} : memref<512xi32, #tpu.memory_space<vmem>>, vector<16xi32>,
    %swap3A_436 = vector.shape_cast %swap3A_435 : vector<16xi32> to vector<16xi32>
    %swap3A_437 = vector.shape_cast %add3A_433 : vector<16xi32> to vector<16xi32>
    tpu.vector_store %arg13[%swap3A_434], %swap3A_437 {strides = array<i32>} : memref<512xi32, #tpu.memory_space<vmem>>, vector<16xi32>,
    %add3A_438 = arith.constant 2 : i32
    %add3A_439 = vector.broadcast %add3A_438 : i32 to vector<16xi32>
    %add3A_440 = arith.addi %add3A_426, %add3A_439 : vector<16xi32>
    %swap3A_441 = arith.constant 272 : index
    %swap3A_442 = tpu.vector_load %arg14[%swap3A_441] {strides = array<i32>} : memref<512xi32, #tpu.memory_space<vmem>>, vector<16xi32>,
    %swap3A_443 = vector.shape_cast %swap3A_442 : vector<16xi32> to vector<16xi32>
    %swap3A_444 = vector.shape_cast %add3A_440 : vector<16xi32> to vector<16xi32>
    tpu.vector_store %arg14[%swap3A_441], %swap3A_444 {strides = array<i32>} : memref<512xi32, #tpu.memory_space<vmem>>, vector<16xi32>,
    %mul3A_445 = arith.constant 3 : i32
    %mul3A_446 = arith.muli %mul3A_445, %mul3A_2 : i32
    %add3A_447 = arith.constant 864 : i32
    %add3A_448 = arith.addi %mul3A_446, %add3A_447 : i32
    %add3A_449 = vector.broadcast %add3A_448 : i32 to vector<16xi32>
    %add3A_450 = arith.addi %mul3A_13, %add3A_449 : vector<16xi32>
    %swap3A_451 = arith.constant 288 : index
    %swap3A_452 = tpu.vector_load %arg12[%swap3A_451] {strides = array<i32>} : memref<512xi32, #tpu.memory_space<vmem>>, vector<16xi32>,
    %swap3A_453 = vector.shape_cast %swap3A_452 : vector<16xi32> to vector<16xi32>
    %swap3A_454 = vector.shape_cast %add3A_450 : vector<16xi32> to vector<16xi32>
    tpu.vector_store %arg12[%swap3A_451], %swap3A_454 {strides = array<i32>} : memref<512xi32, #tpu.memory_space<vmem>>, vector<16xi32>,
    %add3A_455 = arith.constant 1 : i32
    %add3A_456 = vector.broadcast %add3A_455 : i32 to vector<16xi32>
    %add3A_457 = arith.addi %add3A_450, %add3A_456 : vector<16xi32>
    %swap3A_458 = arith.constant 288 : index
    %swap3A_459 = tpu.vector_load %arg13[%swap3A_458] {strides = array<i32>} : memref<512xi32, #tpu.memory_space<vmem>>, vector<16xi32>,
    %swap3A_460 = vector.shape_cast %swap3A_459 : vector<16xi32> to vector<16xi32>
    %swap3A_461 = vector.shape_cast %add3A_457 : vector<16xi32> to vector<16xi32>
    tpu.vector_store %arg13[%swap3A_458], %swap3A_461 {strides = array<i32>} : memref<512xi32, #tpu.memory_space<vmem>>, vector<16xi32>,
    %add3A_462 = arith.constant 2 : i32
    %add3A_463 = vector.broadcast %add3A_462 : i32 to vector<16xi32>
    %add3A_464 = arith.addi %add3A_450, %add3A_463 : vector<16xi32>
    %swap3A_465 = arith.constant 288 : index
    %swap3A_466 = tpu.vector_load %arg14[%swap3A_465] {strides = array<i32>} : memref<512xi32, #tpu.memory_space<vmem>>, vector<16xi32>,
    %swap3A_467 = vector.shape_cast %swap3A_466 : vector<16xi32> to vector<16xi32>
    %swap3A_468 = vector.shape_cast %add3A_464 : vector<16xi32> to vector<16xi32>
    tpu.vector_store %arg14[%swap3A_465], %swap3A_468 {strides = array<i32>} : memref<512xi32, #tpu.memory_space<vmem>>, vector<16xi32>,
    %mul3A_469 = arith.constant 3 : i32
    %mul3A_470 = arith.muli %mul3A_469, %mul3A_2 : i32
    %add3A_471 = arith.constant 912 : i32
    %add3A_472 = arith.addi %mul3A_470, %add3A_471 : i32
    %add3A_473 = vector.broadcast %add3A_472 : i32 to vector<16xi32>
    %add3A_474 = arith.addi %mul3A_13, %add3A_473 : vector<16xi32>
    %swap3A_475 = arith.constant 304 : index
    %swap3A_476 = tpu.vector_load %arg12[%swap3A_475] {strides = array<i32>} : memref<512xi32, #tpu.memory_space<vmem>>, vector<16xi32>,
    %swap3A_477 = vector.shape_cast %swap3A_476 : vector<16xi32> to vector<16xi32>
    %swap3A_478 = vector.shape_cast %add3A_474 : vector<16xi32> to vector<16xi32>
    tpu.vector_store %arg12[%swap3A_475], %swap3A_478 {strides = array<i32>} : memref<512xi32, #tpu.memory_space<vmem>>, vector<16xi32>,
    %add3A_479 = arith.constant 1 : i32
    %add3A_480 = vector.broadcast %add3A_479 : i32 to vector<16xi32>
    %add3A_481 = arith.addi %add3A_474, %add3A_480 : vector<16xi32>
    %swap3A_482 = arith.constant 304 : index
    %swap3A_483 = tpu.vector_load %arg13[%swap3A_482] {strides = array<i32>} : memref<512xi32, #tpu.memory_space<vmem>>, vector<16xi32>,
    %swap3A_484 = vector.shape_cast %swap3A_483 : vector<16xi32> to vector<16xi32>
    %swap3A_485 = vector.shape_cast %add3A_481 : vector<16xi32> to vector<16xi32>
    tpu.vector_store %arg13[%swap3A_482], %swap3A_485 {strides = array<i32>} : memref<512xi32, #tpu.memory_space<vmem>>, vector<16xi32>,
    %add3A_486 = arith.constant 2 : i32
    %add3A_487 = vector.broadcast %add3A_486 : i32 to vector<16xi32>
    %add3A_488 = arith.addi %add3A_474, %add3A_487 : vector<16xi32>
    %swap3A_489 = arith.constant 304 : index
    %swap3A_490 = tpu.vector_load %arg14[%swap3A_489] {strides = array<i32>} : memref<512xi32, #tpu.memory_space<vmem>>, vector<16xi32>,
    %swap3A_491 = vector.shape_cast %swap3A_490 : vector<16xi32> to vector<16xi32>
    %swap3A_492 = vector.shape_cast %add3A_488 : vector<16xi32> to vector<16xi32>
    tpu.vector_store %arg14[%swap3A_489], %swap3A_492 {strides = array<i32>} : memref<512xi32, #tpu.memory_space<vmem>>, vector<16xi32>,
    %mul3A_493 = arith.constant 3 : i32
    %mul3A_494 = arith.muli %mul3A_493, %mul3A_2 : i32
    %add3A_495 = arith.constant 960 : i32
    %add3A_496 = arith.addi %mul3A_494, %add3A_495 : i32
    %add3A_497 = vector.broadcast %add3A_496 : i32 to vector<16xi32>
    %add3A_498 = arith.addi %mul3A_13, %add3A_497 : vector<16xi32>
    %swap3A_499 = arith.constant 320 : index
    %swap3A_500 = tpu.vector_load %arg12[%swap3A_499] {strides = array<i32>} : memref<512xi32, #tpu.memory_space<vmem>>, vector<16xi32>,
    %swap3A_501 = vector.shape_cast %swap3A_500 : vector<16xi32> to vector<16xi32>
    %swap3A_502 = vector.shape_cast %add3A_498 : vector<16xi32> to vector<16xi32>
    tpu.vector_store %arg12[%swap3A_499], %swap3A_502 {strides = array<i32>} : memref<512xi32, #tpu.memory_space<vmem>>, vector<16xi32>,
    %add3A_503 = arith.constant 1 : i32
    %add3A_504 = vector.broadcast %add3A_503 : i32 to vector<16xi32>
    %add3A_505 = arith.addi %add3A_498, %add3A_504 : vector<16xi32>
    %swap3A_506 = arith.constant 320 : index
    %swap3A_507 = tpu.vector_load %arg13[%swap3A_506] {strides = array<i32>} : memref<512xi32, #tpu.memory_space<vmem>>, vector<16xi32>,
    %swap3A_508 = vector.shape_cast %swap3A_507 : vector<16xi32> to vector<16xi32>
    %swap3A_509 = vector.shape_cast %add3A_505 : vector<16xi32> to vector<16xi32>
    tpu.vector_store %arg13[%swap3A_506], %swap3A_509 {strides = array<i32>} : memref<512xi32, #tpu.memory_space<vmem>>, vector<16xi32>,
    %add3A_510 = arith.constant 2 : i32
    %add3A_511 = vector.broadcast %add3A_510 : i32 to vector<16xi32>
    %add3A_512 = arith.addi %add3A_498, %add3A_511 : vector<16xi32>
    %swap3A_513 = arith.constant 320 : index
    %swap3A_514 = tpu.vector_load %arg14[%swap3A_513] {strides = array<i32>} : memref<512xi32, #tpu.memory_space<vmem>>, vector<16xi32>,
    %swap3A_515 = vector.shape_cast %swap3A_514 : vector<16xi32> to vector<16xi32>
    %swap3A_516 = vector.shape_cast %add3A_512 : vector<16xi32> to vector<16xi32>
    tpu.vector_store %arg14[%swap3A_513], %swap3A_516 {strides = array<i32>} : memref<512xi32, #tpu.memory_space<vmem>>, vector<16xi32>,
    %mul3A_517 = arith.constant 3 : i32
    %mul3A_518 = arith.muli %mul3A_517, %mul3A_2 : i32
    %add3A_519 = arith.constant 1008 : i32
    %add3A_520 = arith.addi %mul3A_518, %add3A_519 : i32
    %add3A_521 = vector.broadcast %add3A_520 : i32 to vector<16xi32>
    %add3A_522 = arith.addi %mul3A_13, %add3A_521 : vector<16xi32>
    %swap3A_523 = arith.constant 336 : index
    %swap3A_524 = tpu.vector_load %arg12[%swap3A_523] {strides = array<i32>} : memref<512xi32, #tpu.memory_space<vmem>>, vector<16xi32>,
    %swap3A_525 = vector.shape_cast %swap3A_524 : vector<16xi32> to vector<16xi32>
    %swap3A_526 = vector.shape_cast %add3A_522 : vector<16xi32> to vector<16xi32>
    tpu.vector_store %arg12[%swap3A_523], %swap3A_526 {strides = array<i32>} : memref<512xi32, #tpu.memory_space<vmem>>, vector<16xi32>,
    %add3A_527 = arith.constant 1 : i32
    %add3A_528 = vector.broadcast %add3A_527 : i32 to vector<16xi32>
    %add3A_529 = arith.addi %add3A_522, %add3A_528 : vector<16xi32>
    %swap3A_530 = arith.constant 336 : index
    %swap3A_531 = tpu.vector_load %arg13[%swap3A_530] {strides = array<i32>} : memref<512xi32, #tpu.memory_space<vmem>>, vector<16xi32>,
    %swap3A_532 = vector.shape_cast %swap3A_531 : vector<16xi32> to vector<16xi32>
    %swap3A_533 = vector.shape_cast %add3A_529 : vector<16xi32> to vector<16xi32>
    tpu.vector_store %arg13[%swap3A_530], %swap3A_533 {strides = array<i32>} : memref<512xi32, #tpu.memory_space<vmem>>, vector<16xi32>,
    %add3A_534 = arith.constant 2 : i32
    %add3A_535 = vector.broadcast %add3A_534 : i32 to vector<16xi32>
    %add3A_536 = arith.addi %add3A_522, %add3A_535 : vector<16xi32>
    %swap3A_537 = arith.constant 336 : index
    %swap3A_538 = tpu.vector_load %arg14[%swap3A_537] {strides = array<i32>} : memref<512xi32, #tpu.memory_space<vmem>>, vector<16xi32>,
    %swap3A_539 = vector.shape_cast %swap3A_538 : vector<16xi32> to vector<16xi32>
    %swap3A_540 = vector.shape_cast %add3A_536 : vector<16xi32> to vector<16xi32>
    tpu.vector_store %arg14[%swap3A_537], %swap3A_540 {strides = array<i32>} : memref<512xi32, #tpu.memory_space<vmem>>, vector<16xi32>,
    %mul3A_541 = arith.constant 3 : i32
    %mul3A_542 = arith.muli %mul3A_541, %mul3A_2 : i32
    %add3A_543 = arith.constant 1056 : i32
    %add3A_544 = arith.addi %mul3A_542, %add3A_543 : i32
    %add3A_545 = vector.broadcast %add3A_544 : i32 to vector<16xi32>
    %add3A_546 = arith.addi %mul3A_13, %add3A_545 : vector<16xi32>
    %swap3A_547 = arith.constant 352 : index
    %swap3A_548 = tpu.vector_load %arg12[%swap3A_547] {strides = array<i32>} : memref<512xi32, #tpu.memory_space<vmem>>, vector<16xi32>,
    %swap3A_549 = vector.shape_cast %swap3A_548 : vector<16xi32> to vector<16xi32>
    %swap3A_550 = vector.shape_cast %add3A_546 : vector<16xi32> to vector<16xi32>
    tpu.vector_store %arg12[%swap3A_547], %swap3A_550 {strides = array<i32>} : memref<512xi32, #tpu.memory_space<vmem>>, vector<16xi32>,
    %add3A_551 = arith.constant 1 : i32
    %add3A_552 = vector.broadcast %add3A_551 : i32 to vector<16xi32>
    %add3A_553 = arith.addi %add3A_546, %add3A_552 : vector<16xi32>
    %swap3A_554 = arith.constant 352 : index
    %swap3A_555 = tpu.vector_load %arg13[%swap3A_554] {strides = array<i32>} : memref<512xi32, #tpu.memory_space<vmem>>, vector<16xi32>,
    %swap3A_556 = vector.shape_cast %swap3A_555 : vector<16xi32> to vector<16xi32>
    %swap3A_557 = vector.shape_cast %add3A_553 : vector<16xi32> to vector<16xi32>
    tpu.vector_store %arg13[%swap3A_554], %swap3A_557 {strides = array<i32>} : memref<512xi32, #tpu.memory_space<vmem>>, vector<16xi32>,
    %add3A_558 = arith.constant 2 : i32
    %add3A_559 = vector.broadcast %add3A_558 : i32 to vector<16xi32>
    %add3A_560 = arith.addi %add3A_546, %add3A_559 : vector<16xi32>
    %swap3A_561 = arith.constant 352 : index
    %swap3A_562 = tpu.vector_load %arg14[%swap3A_561] {strides = array<i32>} : memref<512xi32, #tpu.memory_space<vmem>>, vector<16xi32>,
    %swap3A_563 = vector.shape_cast %swap3A_562 : vector<16xi32> to vector<16xi32>
    %swap3A_564 = vector.shape_cast %add3A_560 : vector<16xi32> to vector<16xi32>
    tpu.vector_store %arg14[%swap3A_561], %swap3A_564 {strides = array<i32>} : memref<512xi32, #tpu.memory_space<vmem>>, vector<16xi32>,
    %mul3A_565 = arith.constant 3 : i32
    %mul3A_566 = arith.muli %mul3A_565, %mul3A_2 : i32
    %add3A_567 = arith.constant 1104 : i32
    %add3A_568 = arith.addi %mul3A_566, %add3A_567 : i32
    %add3A_569 = vector.broadcast %add3A_568 : i32 to vector<16xi32>
    %add3A_570 = arith.addi %mul3A_13, %add3A_569 : vector<16xi32>
    %swap3A_571 = arith.constant 368 : index
    %swap3A_572 = tpu.vector_load %arg12[%swap3A_571] {strides = array<i32>} : memref<512xi32, #tpu.memory_space<vmem>>, vector<16xi32>,
    %swap3A_573 = vector.shape_cast %swap3A_572 : vector<16xi32> to vector<16xi32>
    %swap3A_574 = vector.shape_cast %add3A_570 : vector<16xi32> to vector<16xi32>
    tpu.vector_store %arg12[%swap3A_571], %swap3A_574 {strides = array<i32>} : memref<512xi32, #tpu.memory_space<vmem>>, vector<16xi32>,
    %add3A_575 = arith.constant 1 : i32
    %add3A_576 = vector.broadcast %add3A_575 : i32 to vector<16xi32>
    %add3A_577 = arith.addi %add3A_570, %add3A_576 : vector<16xi32>
    %swap3A_578 = arith.constant 368 : index
    %swap3A_579 = tpu.vector_load %arg13[%swap3A_578] {strides = array<i32>} : memref<512xi32, #tpu.memory_space<vmem>>, vector<16xi32>,
    %swap3A_580 = vector.shape_cast %swap3A_579 : vector<16xi32> to vector<16xi32>
    %swap3A_581 = vector.shape_cast %add3A_577 : vector<16xi32> to vector<16xi32>
    tpu.vector_store %arg13[%swap3A_578], %swap3A_581 {strides = array<i32>} : memref<512xi32, #tpu.memory_space<vmem>>, vector<16xi32>,
    %add3A_582 = arith.constant 2 : i32
    %add3A_583 = vector.broadcast %add3A_582 : i32 to vector<16xi32>
    %add3A_584 = arith.addi %add3A_570, %add3A_583 : vector<16xi32>
    %swap3A_585 = arith.constant 368 : index
    %swap3A_586 = tpu.vector_load %arg14[%swap3A_585] {strides = array<i32>} : memref<512xi32, #tpu.memory_space<vmem>>, vector<16xi32>,
    %swap3A_587 = vector.shape_cast %swap3A_586 : vector<16xi32> to vector<16xi32>
    %swap3A_588 = vector.shape_cast %add3A_584 : vector<16xi32> to vector<16xi32>
    tpu.vector_store %arg14[%swap3A_585], %swap3A_588 {strides = array<i32>} : memref<512xi32, #tpu.memory_space<vmem>>, vector<16xi32>,
    %mul3A_589 = arith.constant 3 : i32
    %mul3A_590 = arith.muli %mul3A_589, %mul3A_2 : i32
    %add3A_591 = arith.constant 1152 : i32
    %add3A_592 = arith.addi %mul3A_590, %add3A_591 : i32
    %add3A_593 = vector.broadcast %add3A_592 : i32 to vector<16xi32>
    %add3A_594 = arith.addi %mul3A_13, %add3A_593 : vector<16xi32>
    %swap3A_595 = arith.constant 384 : index
    %swap3A_596 = tpu.vector_load %arg12[%swap3A_595] {strides = array<i32>} : memref<512xi32, #tpu.memory_space<vmem>>, vector<16xi32>,
    %swap3A_597 = vector.shape_cast %swap3A_596 : vector<16xi32> to vector<16xi32>
    %swap3A_598 = vector.shape_cast %add3A_594 : vector<16xi32> to vector<16xi32>
    tpu.vector_store %arg12[%swap3A_595], %swap3A_598 {strides = array<i32>} : memref<512xi32, #tpu.memory_space<vmem>>, vector<16xi32>,
    %add3A_599 = arith.constant 1 : i32
    %add3A_600 = vector.broadcast %add3A_599 : i32 to vector<16xi32>
    %add3A_601 = arith.addi %add3A_594, %add3A_600 : vector<16xi32>
    %swap3A_602 = arith.constant 384 : index
    %swap3A_603 = tpu.vector_load %arg13[%swap3A_602] {strides = array<i32>} : memref<512xi32, #tpu.memory_space<vmem>>, vector<16xi32>,
    %swap3A_604 = vector.shape_cast %swap3A_603 : vector<16xi32> to vector<16xi32>
    %swap3A_605 = vector.shape_cast %add3A_601 : vector<16xi32> to vector<16xi32>
    tpu.vector_store %arg13[%swap3A_602], %swap3A_605 {strides = array<i32>} : memref<512xi32, #tpu.memory_space<vmem>>, vector<16xi32>,
    %add3A_606 = arith.constant 2 : i32
    %add3A_607 = vector.broadcast %add3A_606 : i32 to vector<16xi32>
    %add3A_608 = arith.addi %add3A_594, %add3A_607 : vector<16xi32>
    %swap3A_609 = arith.constant 384 : index
    %swap3A_610 = tpu.vector_load %arg14[%swap3A_609] {strides = array<i32>} : memref<512xi32, #tpu.memory_space<vmem>>, vector<16xi32>,
    %swap3A_611 = vector.shape_cast %swap3A_610 : vector<16xi32> to vector<16xi32>
    %swap3A_612 = vector.shape_cast %add3A_608 : vector<16xi32> to vector<16xi32>
    tpu.vector_store %arg14[%swap3A_609], %swap3A_612 {strides = array<i32>} : memref<512xi32, #tpu.memory_space<vmem>>, vector<16xi32>,
    %mul3A_613 = arith.constant 3 : i32
    %mul3A_614 = arith.muli %mul3A_613, %mul3A_2 : i32
    %add3A_615 = arith.constant 1200 : i32
    %add3A_616 = arith.addi %mul3A_614, %add3A_615 : i32
    %add3A_617 = vector.broadcast %add3A_616 : i32 to vector<16xi32>
    %add3A_618 = arith.addi %mul3A_13, %add3A_617 : vector<16xi32>
    %swap3A_619 = arith.constant 400 : index
    %swap3A_620 = tpu.vector_load %arg12[%swap3A_619] {strides = array<i32>} : memref<512xi32, #tpu.memory_space<vmem>>, vector<16xi32>,
    %swap3A_621 = vector.shape_cast %swap3A_620 : vector<16xi32> to vector<16xi32>
    %swap3A_622 = vector.shape_cast %add3A_618 : vector<16xi32> to vector<16xi32>
    tpu.vector_store %arg12[%swap3A_619], %swap3A_622 {strides = array<i32>} : memref<512xi32, #tpu.memory_space<vmem>>, vector<16xi32>,
    %add3A_623 = arith.constant 1 : i32
    %add3A_624 = vector.broadcast %add3A_623 : i32 to vector<16xi32>
    %add3A_625 = arith.addi %add3A_618, %add3A_624 : vector<16xi32>
    %swap3A_626 = arith.constant 400 : index
    %swap3A_627 = tpu.vector_load %arg13[%swap3A_626] {strides = array<i32>} : memref<512xi32, #tpu.memory_space<vmem>>, vector<16xi32>,
    %swap3A_628 = vector.shape_cast %swap3A_627 : vector<16xi32> to vector<16xi32>
    %swap3A_629 = vector.shape_cast %add3A_625 : vector<16xi32> to vector<16xi32>
    tpu.vector_store %arg13[%swap3A_626], %swap3A_629 {strides = array<i32>} : memref<512xi32, #tpu.memory_space<vmem>>, vector<16xi32>,
    %add3A_630 = arith.constant 2 : i32
    %add3A_631 = vector.broadcast %add3A_630 : i32 to vector<16xi32>
    %add3A_632 = arith.addi %add3A_618, %add3A_631 : vector<16xi32>
    %swap3A_633 = arith.constant 400 : index
    %swap3A_634 = tpu.vector_load %arg14[%swap3A_633] {strides = array<i32>} : memref<512xi32, #tpu.memory_space<vmem>>, vector<16xi32>,
    %swap3A_635 = vector.shape_cast %swap3A_634 : vector<16xi32> to vector<16xi32>
    %swap3A_636 = vector.shape_cast %add3A_632 : vector<16xi32> to vector<16xi32>
    tpu.vector_store %arg14[%swap3A_633], %swap3A_636 {strides = array<i32>} : memref<512xi32, #tpu.memory_space<vmem>>, vector<16xi32>,
    %mul3A_637 = arith.constant 3 : i32
    %mul3A_638 = arith.muli %mul3A_637, %mul3A_2 : i32
    %add3A_639 = arith.constant 1248 : i32
    %add3A_640 = arith.addi %mul3A_638, %add3A_639 : i32
    %add3A_641 = vector.broadcast %add3A_640 : i32 to vector<16xi32>
    %add3A_642 = arith.addi %mul3A_13, %add3A_641 : vector<16xi32>
    %swap3A_643 = arith.constant 416 : index
    %swap3A_644 = tpu.vector_load %arg12[%swap3A_643] {strides = array<i32>} : memref<512xi32, #tpu.memory_space<vmem>>, vector<16xi32>,
    %swap3A_645 = vector.shape_cast %swap3A_644 : vector<16xi32> to vector<16xi32>
    %swap3A_646 = vector.shape_cast %add3A_642 : vector<16xi32> to vector<16xi32>
    tpu.vector_store %arg12[%swap3A_643], %swap3A_646 {strides = array<i32>} : memref<512xi32, #tpu.memory_space<vmem>>, vector<16xi32>,
    %add3A_647 = arith.constant 1 : i32
    %add3A_648 = vector.broadcast %add3A_647 : i32 to vector<16xi32>
    %add3A_649 = arith.addi %add3A_642, %add3A_648 : vector<16xi32>
    %swap3A_650 = arith.constant 416 : index
    %swap3A_651 = tpu.vector_load %arg13[%swap3A_650] {strides = array<i32>} : memref<512xi32, #tpu.memory_space<vmem>>, vector<16xi32>,
    %swap3A_652 = vector.shape_cast %swap3A_651 : vector<16xi32> to vector<16xi32>
    %swap3A_653 = vector.shape_cast %add3A_649 : vector<16xi32> to vector<16xi32>
    tpu.vector_store %arg13[%swap3A_650], %swap3A_653 {strides = array<i32>} : memref<512xi32, #tpu.memory_space<vmem>>, vector<16xi32>,
    %add3A_654 = arith.constant 2 : i32
    %add3A_655 = vector.broadcast %add3A_654 : i32 to vector<16xi32>
    %add3A_656 = arith.addi %add3A_642, %add3A_655 : vector<16xi32>
    %swap3A_657 = arith.constant 416 : index
    %swap3A_658 = tpu.vector_load %arg14[%swap3A_657] {strides = array<i32>} : memref<512xi32, #tpu.memory_space<vmem>>, vector<16xi32>,
    %swap3A_659 = vector.shape_cast %swap3A_658 : vector<16xi32> to vector<16xi32>
    %swap3A_660 = vector.shape_cast %add3A_656 : vector<16xi32> to vector<16xi32>
    tpu.vector_store %arg14[%swap3A_657], %swap3A_660 {strides = array<i32>} : memref<512xi32, #tpu.memory_space<vmem>>, vector<16xi32>,
    %mul3A_661 = arith.constant 3 : i32
    %mul3A_662 = arith.muli %mul3A_661, %mul3A_2 : i32
    %add3A_663 = arith.constant 1296 : i32
    %add3A_664 = arith.addi %mul3A_662, %add3A_663 : i32
    %add3A_665 = vector.broadcast %add3A_664 : i32 to vector<16xi32>
    %add3A_666 = arith.addi %mul3A_13, %add3A_665 : vector<16xi32>
    %swap3A_667 = arith.constant 432 : index
    %swap3A_668 = tpu.vector_load %arg12[%swap3A_667] {strides = array<i32>} : memref<512xi32, #tpu.memory_space<vmem>>, vector<16xi32>,
    %swap3A_669 = vector.shape_cast %swap3A_668 : vector<16xi32> to vector<16xi32>
    %swap3A_670 = vector.shape_cast %add3A_666 : vector<16xi32> to vector<16xi32>
    tpu.vector_store %arg12[%swap3A_667], %swap3A_670 {strides = array<i32>} : memref<512xi32, #tpu.memory_space<vmem>>, vector<16xi32>,
    %add3A_671 = arith.constant 1 : i32
    %add3A_672 = vector.broadcast %add3A_671 : i32 to vector<16xi32>
    %add3A_673 = arith.addi %add3A_666, %add3A_672 : vector<16xi32>
    %swap3A_674 = arith.constant 432 : index
    %swap3A_675 = tpu.vector_load %arg13[%swap3A_674] {strides = array<i32>} : memref<512xi32, #tpu.memory_space<vmem>>, vector<16xi32>,
    %swap3A_676 = vector.shape_cast %swap3A_675 : vector<16xi32> to vector<16xi32>
    %swap3A_677 = vector.shape_cast %add3A_673 : vector<16xi32> to vector<16xi32>
    tpu.vector_store %arg13[%swap3A_674], %swap3A_677 {strides = array<i32>} : memref<512xi32, #tpu.memory_space<vmem>>, vector<16xi32>,
    %add3A_678 = arith.constant 2 : i32
    %add3A_679 = vector.broadcast %add3A_678 : i32 to vector<16xi32>
    %add3A_680 = arith.addi %add3A_666, %add3A_679 : vector<16xi32>
    %swap3A_681 = arith.constant 432 : index
    %swap3A_682 = tpu.vector_load %arg14[%swap3A_681] {strides = array<i32>} : memref<512xi32, #tpu.memory_space<vmem>>, vector<16xi32>,
    %swap3A_683 = vector.shape_cast %swap3A_682 : vector<16xi32> to vector<16xi32>
    %swap3A_684 = vector.shape_cast %add3A_680 : vector<16xi32> to vector<16xi32>
    tpu.vector_store %arg14[%swap3A_681], %swap3A_684 {strides = array<i32>} : memref<512xi32, #tpu.memory_space<vmem>>, vector<16xi32>,
    %mul3A_685 = arith.constant 3 : i32
    %mul3A_686 = arith.muli %mul3A_685, %mul3A_2 : i32
    %add3A_687 = arith.constant 1344 : i32
    %add3A_688 = arith.addi %mul3A_686, %add3A_687 : i32
    %add3A_689 = vector.broadcast %add3A_688 : i32 to vector<16xi32>
    %add3A_690 = arith.addi %mul3A_13, %add3A_689 : vector<16xi32>
    %swap3A_691 = arith.constant 448 : index
    %swap3A_692 = tpu.vector_load %arg12[%swap3A_691] {strides = array<i32>} : memref<512xi32, #tpu.memory_space<vmem>>, vector<16xi32>,
    %swap3A_693 = vector.shape_cast %swap3A_692 : vector<16xi32> to vector<16xi32>
    %swap3A_694 = vector.shape_cast %add3A_690 : vector<16xi32> to vector<16xi32>
    tpu.vector_store %arg12[%swap3A_691], %swap3A_694 {strides = array<i32>} : memref<512xi32, #tpu.memory_space<vmem>>, vector<16xi32>,
    %add3A_695 = arith.constant 1 : i32
    %add3A_696 = vector.broadcast %add3A_695 : i32 to vector<16xi32>
    %add3A_697 = arith.addi %add3A_690, %add3A_696 : vector<16xi32>
    %swap3A_698 = arith.constant 448 : index
    %swap3A_699 = tpu.vector_load %arg13[%swap3A_698] {strides = array<i32>} : memref<512xi32, #tpu.memory_space<vmem>>, vector<16xi32>,
    %swap3A_700 = vector.shape_cast %swap3A_699 : vector<16xi32> to vector<16xi32>
    %swap3A_701 = vector.shape_cast %add3A_697 : vector<16xi32> to vector<16xi32>
    tpu.vector_store %arg13[%swap3A_698], %swap3A_701 {strides = array<i32>} : memref<512xi32, #tpu.memory_space<vmem>>, vector<16xi32>,
    %add3A_702 = arith.constant 2 : i32
    %add3A_703 = vector.broadcast %add3A_702 : i32 to vector<16xi32>
    %add3A_704 = arith.addi %add3A_690, %add3A_703 : vector<16xi32>
    %swap3A_705 = arith.constant 448 : index
    %swap3A_706 = tpu.vector_load %arg14[%swap3A_705] {strides = array<i32>} : memref<512xi32, #tpu.memory_space<vmem>>, vector<16xi32>,
    %swap3A_707 = vector.shape_cast %swap3A_706 : vector<16xi32> to vector<16xi32>
    %swap3A_708 = vector.shape_cast %add3A_704 : vector<16xi32> to vector<16xi32>
    tpu.vector_store %arg14[%swap3A_705], %swap3A_708 {strides = array<i32>} : memref<512xi32, #tpu.memory_space<vmem>>, vector<16xi32>,
    %mul3A_709 = arith.constant 3 : i32
    %mul3A_710 = arith.muli %mul3A_709, %mul3A_2 : i32
    %add3A_711 = arith.constant 1392 : i32
    %add3A_712 = arith.addi %mul3A_710, %add3A_711 : i32
    %add3A_713 = vector.broadcast %add3A_712 : i32 to vector<16xi32>
    %add3A_714 = arith.addi %mul3A_13, %add3A_713 : vector<16xi32>
    %swap3A_715 = arith.constant 464 : index
    %swap3A_716 = tpu.vector_load %arg12[%swap3A_715] {strides = array<i32>} : memref<512xi32, #tpu.memory_space<vmem>>, vector<16xi32>,
    %swap3A_717 = vector.shape_cast %swap3A_716 : vector<16xi32> to vector<16xi32>
    %swap3A_718 = vector.shape_cast %add3A_714 : vector<16xi32> to vector<16xi32>
    tpu.vector_store %arg12[%swap3A_715], %swap3A_718 {strides = array<i32>} : memref<512xi32, #tpu.memory_space<vmem>>, vector<16xi32>,
    %add3A_719 = arith.constant 1 : i32
    %add3A_720 = vector.broadcast %add3A_719 : i32 to vector<16xi32>
    %add3A_721 = arith.addi %add3A_714, %add3A_720 : vector<16xi32>
    %swap3A_722 = arith.constant 464 : index
    %swap3A_723 = tpu.vector_load %arg13[%swap3A_722] {strides = array<i32>} : memref<512xi32, #tpu.memory_space<vmem>>, vector<16xi32>,
    %swap3A_724 = vector.shape_cast %swap3A_723 : vector<16xi32> to vector<16xi32>
    %swap3A_725 = vector.shape_cast %add3A_721 : vector<16xi32> to vector<16xi32>
    tpu.vector_store %arg13[%swap3A_722], %swap3A_725 {strides = array<i32>} : memref<512xi32, #tpu.memory_space<vmem>>, vector<16xi32>,
    %add3A_726 = arith.constant 2 : i32
    %add3A_727 = vector.broadcast %add3A_726 : i32 to vector<16xi32>
    %add3A_728 = arith.addi %add3A_714, %add3A_727 : vector<16xi32>
    %swap3A_729 = arith.constant 464 : index
    %swap3A_730 = tpu.vector_load %arg14[%swap3A_729] {strides = array<i32>} : memref<512xi32, #tpu.memory_space<vmem>>, vector<16xi32>,
    %swap3A_731 = vector.shape_cast %swap3A_730 : vector<16xi32> to vector<16xi32>
    %swap3A_732 = vector.shape_cast %add3A_728 : vector<16xi32> to vector<16xi32>
    tpu.vector_store %arg14[%swap3A_729], %swap3A_732 {strides = array<i32>} : memref<512xi32, #tpu.memory_space<vmem>>, vector<16xi32>,
    %mul3A_733 = arith.constant 3 : i32
    %mul3A_734 = arith.muli %mul3A_733, %mul3A_2 : i32
    %add3A_735 = arith.constant 1440 : i32
    %add3A_736 = arith.addi %mul3A_734, %add3A_735 : i32
    %add3A_737 = vector.broadcast %add3A_736 : i32 to vector<16xi32>
    %add3A_738 = arith.addi %mul3A_13, %add3A_737 : vector<16xi32>
    %swap3A_739 = arith.constant 480 : index
    %swap3A_740 = tpu.vector_load %arg12[%swap3A_739] {strides = array<i32>} : memref<512xi32, #tpu.memory_space<vmem>>, vector<16xi32>,
    %swap3A_741 = vector.shape_cast %swap3A_740 : vector<16xi32> to vector<16xi32>
    %swap3A_742 = vector.shape_cast %add3A_738 : vector<16xi32> to vector<16xi32>
    tpu.vector_store %arg12[%swap3A_739], %swap3A_742 {strides = array<i32>} : memref<512xi32, #tpu.memory_space<vmem>>, vector<16xi32>,
    %add3A_743 = arith.constant 1 : i32
    %add3A_744 = vector.broadcast %add3A_743 : i32 to vector<16xi32>
    %add3A_745 = arith.addi %add3A_738, %add3A_744 : vector<16xi32>
    %swap3A_746 = arith.constant 480 : index
    %swap3A_747 = tpu.vector_load %arg13[%swap3A_746] {strides = array<i32>} : memref<512xi32, #tpu.memory_space<vmem>>, vector<16xi32>,
    %swap3A_748 = vector.shape_cast %swap3A_747 : vector<16xi32> to vector<16xi32>
    %swap3A_749 = vector.shape_cast %add3A_745 : vector<16xi32> to vector<16xi32>
    tpu.vector_store %arg13[%swap3A_746], %swap3A_749 {strides = array<i32>} : memref<512xi32, #tpu.memory_space<vmem>>, vector<16xi32>,
    %add3A_750 = arith.constant 2 : i32
    %add3A_751 = vector.broadcast %add3A_750 : i32 to vector<16xi32>
    %add3A_752 = arith.addi %add3A_738, %add3A_751 : vector<16xi32>
    %swap3A_753 = arith.constant 480 : index
    %swap3A_754 = tpu.vector_load %arg14[%swap3A_753] {strides = array<i32>} : memref<512xi32, #tpu.memory_space<vmem>>, vector<16xi32>,
    %swap3A_755 = vector.shape_cast %swap3A_754 : vector<16xi32> to vector<16xi32>
    %swap3A_756 = vector.shape_cast %add3A_752 : vector<16xi32> to vector<16xi32>
    tpu.vector_store %arg14[%swap3A_753], %swap3A_756 {strides = array<i32>} : memref<512xi32, #tpu.memory_space<vmem>>, vector<16xi32>,
    %mul3A_757 = arith.constant 3 : i32
    %mul3A_758 = arith.muli %mul3A_757, %mul3A_2 : i32
    %add3A_759 = arith.constant 1488 : i32
    %add3A_760 = arith.addi %mul3A_758, %add3A_759 : i32
    %add3A_761 = vector.broadcast %add3A_760 : i32 to vector<16xi32>
    %add3A_762 = arith.addi %mul3A_13, %add3A_761 : vector<16xi32>
    %swap3A_763 = arith.constant 496 : index
    %swap3A_764 = tpu.vector_load %arg12[%swap3A_763] {strides = array<i32>} : memref<512xi32, #tpu.memory_space<vmem>>, vector<16xi32>,
    %swap3A_765 = vector.shape_cast %swap3A_764 : vector<16xi32> to vector<16xi32>
    %swap3A_766 = vector.shape_cast %add3A_762 : vector<16xi32> to vector<16xi32>
    tpu.vector_store %arg12[%swap3A_763], %swap3A_766 {strides = array<i32>} : memref<512xi32, #tpu.memory_space<vmem>>, vector<16xi32>,
    %add3A_767 = arith.constant 1 : i32
    %add3A_768 = vector.broadcast %add3A_767 : i32 to vector<16xi32>
    %add3A_769 = arith.addi %add3A_762, %add3A_768 : vector<16xi32>
    %swap3A_770 = arith.constant 496 : index
    %swap3A_771 = tpu.vector_load %arg13[%swap3A_770] {strides = array<i32>} : memref<512xi32, #tpu.memory_space<vmem>>, vector<16xi32>,
    %swap3A_772 = vector.shape_cast %swap3A_771 : vector<16xi32> to vector<16xi32>
    %swap3A_773 = vector.shape_cast %add3A_769 : vector<16xi32> to vector<16xi32>
    tpu.vector_store %arg13[%swap3A_770], %swap3A_773 {strides = array<i32>} : memref<512xi32, #tpu.memory_space<vmem>>, vector<16xi32>,
    %add3A_774 = arith.constant 2 : i32
    %add3A_775 = vector.broadcast %add3A_774 : i32 to vector<16xi32>
    %add3A_776 = arith.addi %add3A_762, %add3A_775 : vector<16xi32>
    %swap3A_777 = arith.constant 496 : index
    %swap3A_778 = tpu.vector_load %arg14[%swap3A_777] {strides = array<i32>} : memref<512xi32, #tpu.memory_space<vmem>>, vector<16xi32>,
    %swap3A_779 = vector.shape_cast %swap3A_778 : vector<16xi32> to vector<16xi32>
    %swap3A_780 = vector.shape_cast %add3A_776 : vector<16xi32> to vector<16xi32>
    tpu.vector_store %arg14[%swap3A_777], %swap3A_780 {strides = array<i32>} : memref<512xi32, #tpu.memory_space<vmem>>, vector<16xi32>,
    %dma_wait3A = arith.constant 0 : i32
    %dma_wait3A_781 = arith.constant 0 : i32
    %dma_wait3A_782 = tpu.memref_slice %arg5[%dma_wait3A, %dma_wait3A_781] : memref<300000x32xf32, #tpu.memory_space<hbm>> -> memref<300000x32xf32, #tpu.memory_space<hbm>>
    tpu.wait_indirect_dma semaphore(%arg18 : memref<!tpu.dma_semaphore, #tpu.memory_space<semaphore_mem>>) src(%dma_wait3A_782 : memref<300000x32xf32, #tpu.memory_space<hbm>>) dst(%arg15 : memref<512x32xf32, #tpu.memory_space<vmem>>)
    %dma_start3A_783 = arith.constant 0 : i32
    %dma_start3A_784 = arith.constant 0 : i32
    %dma_start3A_785 = tpu.memref_slice %arg8[%dma_start3A_783, %dma_start3A_784] : memref<49152x32xf32, #tpu.memory_space<hbm>> -> memref<49152x32xf32, #tpu.memory_space<hbm>>
    tpu.enqueue_indirect_dma source(%arg15 : memref<512x32xf32, #tpu.memory_space<vmem>>) target(%dma_start3A_785 : memref<49152x32xf32, #tpu.memory_space<hbm>>) offsets(%arg12 : memref<512xi32, #tpu.memory_space<vmem>>) semaphore(%arg21 : memref<!tpu.dma_semaphore, #tpu.memory_space<semaphore_mem>>)
    %dma_wait3A_786 = arith.constant 0 : i32
    %dma_wait3A_787 = arith.constant 0 : i32
    %dma_wait3A_788 = tpu.memref_slice %arg6[%dma_wait3A_786, %dma_wait3A_787] : memref<4000x32xf32, #tpu.memory_space<hbm>> -> memref<4000x32xf32, #tpu.memory_space<hbm>>
    tpu.wait_indirect_dma semaphore(%arg19 : memref<!tpu.dma_semaphore, #tpu.memory_space<semaphore_mem>>) src(%dma_wait3A_788 : memref<4000x32xf32, #tpu.memory_space<hbm>>) dst(%arg16 : memref<512x32xf32, #tpu.memory_space<vmem>>)
    %dma_start3A_789 = arith.constant 0 : i32
    %dma_start3A_790 = arith.constant 0 : i32
    %dma_start3A_791 = tpu.memref_slice %arg8[%dma_start3A_789, %dma_start3A_790] : memref<49152x32xf32, #tpu.memory_space<hbm>> -> memref<49152x32xf32, #tpu.memory_space<hbm>>
    tpu.enqueue_indirect_dma source(%arg16 : memref<512x32xf32, #tpu.memory_space<vmem>>) target(%dma_start3A_791 : memref<49152x32xf32, #tpu.memory_space<hbm>>) offsets(%arg13 : memref<512xi32, #tpu.memory_space<vmem>>) semaphore(%arg22 : memref<!tpu.dma_semaphore, #tpu.memory_space<semaphore_mem>>)
    %dma_wait3A_792 = arith.constant 0 : i32
    %dma_wait3A_793 = arith.constant 0 : i32
    %dma_wait3A_794 = tpu.memref_slice %arg7[%dma_wait3A_792, %dma_wait3A_793] : memref<340x32xf32, #tpu.memory_space<hbm>> -> memref<340x32xf32, #tpu.memory_space<hbm>>
    tpu.wait_indirect_dma semaphore(%arg20 : memref<!tpu.dma_semaphore, #tpu.memory_space<semaphore_mem>>) src(%dma_wait3A_794 : memref<340x32xf32, #tpu.memory_space<hbm>>) dst(%arg17 : memref<512x32xf32, #tpu.memory_space<vmem>>)
    %dma_start3A_795 = arith.constant 0 : i32
    %dma_start3A_796 = arith.constant 0 : i32
    %dma_start3A_797 = tpu.memref_slice %arg8[%dma_start3A_795, %dma_start3A_796] : memref<49152x32xf32, #tpu.memory_space<hbm>> -> memref<49152x32xf32, #tpu.memory_space<hbm>>
    tpu.enqueue_indirect_dma source(%arg17 : memref<512x32xf32, #tpu.memory_space<vmem>>) target(%dma_start3A_797 : memref<49152x32xf32, #tpu.memory_space<hbm>>) offsets(%arg14 : memref<512xi32, #tpu.memory_space<vmem>>) semaphore(%arg23 : memref<!tpu.dma_semaphore, #tpu.memory_space<semaphore_mem>>)
    %dma_wait3A_798 = arith.constant 0 : i32
    %dma_wait3A_799 = arith.constant 0 : i32
    %dma_wait3A_800 = tpu.memref_slice %arg8[%dma_wait3A_798, %dma_wait3A_799] : memref<49152x32xf32, #tpu.memory_space<hbm>> -> memref<49152x32xf32, #tpu.memory_space<hbm>>
    tpu.wait_indirect_dma semaphore(%arg21 : memref<!tpu.dma_semaphore, #tpu.memory_space<semaphore_mem>>) src(%arg15 : memref<512x32xf32, #tpu.memory_space<vmem>>) dst(%dma_wait3A_800 : memref<49152x32xf32, #tpu.memory_space<hbm>>)
    %dma_wait3A_801 = arith.constant 0 : i32
    %dma_wait3A_802 = arith.constant 0 : i32
    %dma_wait3A_803 = tpu.memref_slice %arg8[%dma_wait3A_801, %dma_wait3A_802] : memref<49152x32xf32, #tpu.memory_space<hbm>> -> memref<49152x32xf32, #tpu.memory_space<hbm>>
    tpu.wait_indirect_dma semaphore(%arg22 : memref<!tpu.dma_semaphore, #tpu.memory_space<semaphore_mem>>) src(%arg16 : memref<512x32xf32, #tpu.memory_space<vmem>>) dst(%dma_wait3A_803 : memref<49152x32xf32, #tpu.memory_space<hbm>>)
    %dma_wait3A_804 = arith.constant 0 : i32
    %dma_wait3A_805 = arith.constant 0 : i32
    %dma_wait3A_806 = tpu.memref_slice %arg8[%dma_wait3A_804, %dma_wait3A_805] : memref<49152x32xf32, #tpu.memory_space<hbm>> -> memref<49152x32xf32, #tpu.memory_space<hbm>>
    tpu.wait_indirect_dma semaphore(%arg23 : memref<!tpu.dma_semaphore, #tpu.memory_space<semaphore_mem>>) src(%arg17 : memref<512x32xf32, #tpu.memory_space<vmem>>) dst(%dma_wait3A_806 : memref<49152x32xf32, #tpu.memory_space<hbm>>)
    return
  }
}

</mosaic_0001>

<sc_bundles>
// kernel: kernel.3.cloned.1.call-start
scs
__scs_entry_jumppad:
0x0: {  	(pc) =	sbr.rel $0x88, $3  }
0x1: {  	(tag) =	ssettag $0x0;
	lr =	simm.s32 $0x1  }
0x2: {  	[smem:$0x3F9B] =	sst lr;
	_ =	strace $0xD0000000  }
0x3: {  	_ = 	snop  }
0x4: {  	_ = 	snop  }
0x5: {  	_ = 	snop  }
0x6: {  	_ = 	snop  }
0x7: {  	_ = 	snop  }
__scs_overlays_trampoline_lowered:
0x8: {  	[smem:$0x3FAA] =	sst s0  }
0x9: {  	[smem:$0x3FAB] =	sst s1  }
0xa: {  	[smem:$0x3FAC] =	sst s2  }
0xb: {  	[smem:$0x3FAD] =	sst s3  }
0xc: {  	[smem:$0x3FAE] =	sst s4  }
0xd: {  	[smem:$0x3FAF] =	sst s5  }
0xe: {  	[smem:$0x3FB0] =	sst s6  }
0xf: {  	[smem:$0x3FB1] =	sst s7  }
0x10: {  	[smem:$0x3FB2] =	sst s8  }
0x11: {  	[smem:$0x3FB3] =	sst s9;
	s0 =	simm.s32 @!p0 $0x0  }
0x12: {  	s1 =	sld [smem:$0x3F99];
	s0 =	simm.s32 @p0 $0x1  }
0x13: {  	[smem:$0x3FB4] =	sst s0;
	s0 =	simm.s32 @!p1 $0x0  }
0x14: {  	s2 =	sld [smem:$0x3F98];
	s0 =	simm.s32 @p1 $0x1  }
0x15: {  	[smem:$0x3FB5] =	sst s0;
	s0 =	simm.s32 @!p2 $0x0  }
0x16: {  	s3 =	sld [smem:$0x3FDB];
	s0 =	simm.s32 @p2 $0x1  }
0x17: {  	s4 =	simm.s32 $0x1BF5;
	[smem:$0x3FB7] =	sst s0  }
0x18: {  	s0 =	sld [smem:$0x3F9A];
	_ =	swait.ge [sflag:s4], $0x0  }
0x19: {  	s7 =	sld [smem:$0x3F9B]  }
0x1a: {  	s8 =	sadd.s32 $0xFFFFE003, lr  }
0x1b: {  	s9 =	sadd.s32 $0xFFFFFEF7, lr;
	s5 =	simm.s32 $0xFFFFFFFF;
	p2 =	slt.u32 s8, $0xFFFFF086  }
0x1c: {  	p1 =	slt.u32 s9, $0xF7A;
	s5 =	simm.s32 @!p2 $0x0  }
0x1d: {  	s5 =	simm.s32 @p1 $0x1;
	p0 =	seq.s32 s7, s2  }
0x1e: {  	s7 =	smul.u32 @!p0 $0xF7A, s2;
	p2 =	seq.s32 @!p0 s5, $0x0  }
0x1f: {  	s9 =	smul.u32 $0xF7A, s1;
	s8 =	simm.s32 @!p0 $0x1BF5;
	p2 =	por !p2, p0  }
0x20: {  	[sflag:s8] =	ssyncset.s32 @!p0 $0xFFFFF086;
	s6 =	sadd.s32 @!p0 s3, s7;
	s7 =	simm.s32 @!p0 $0x108  }
0x21: {  	s3 =	sadd.s32 s3, s9;
	s6 =	sadd.s32 @!p0 $0x88, s6;
	s7 =	simm.s32 @p2 $0x1082  }
0x22: {  	[simem:s7], [sflag:s8] =	dma.local @!p0 [hbm:s6], $0xF7A  }
0x23: {  	s9 =	sor.u32 $0xD0000000, s2;
	s6 =	simm.s32 $0x108;
	_ =	swait.ge @!p0 [sflag:s8], $0x0  }
0x24: {  	s3 =	sadd.s32 $0x88, s3;
	s6 =	simm.s32 @!p1 $0x1082;
	[sflag:s4] =	ssyncset.s32 $0xFFFFF086  }
0x25: {  	[simem:s6], [sflag:s4] =	dma.local [hbm:s3], $0xF7A  }
0x26: {  	[smem:$0x3F9B] =	sst s1;
	(tag) =	ssettag s2;
	_ =	strace s9  }
0x27: {  	s1 =	sld [smem:$0x3FAB]  }
0x28: {  	s2 =	sld [smem:$0x3FAC]  }
0x29: {  	s4 =	sld [smem:$0x3FAE]  }
0x2a: {  	p0 =	seq.s32 s5, $0x0;
	s5 =	sld [smem:$0x3FAF]  }
0x2b: {  	s6 =	sld [smem:$0x3FB0]  }
0x2c: {  	s7 =	sld [smem:$0x3FB1]  }
0x2d: {  	s3 =	simm.s32 $0x108;
	s8 =	sld [smem:$0x3FB2]  }
0x2e: {  	s3 =	simm.s32 @!p0 $0x1082;
	s9 =	sld [smem:$0x3FB3]  }
0x2f: {  	lr =	sadd.s32 s0, s3;
	s0 =	sld [smem:$0x3FAA]  }
0x30: {  	s3 =	sld [smem:$0x3FAD]  }
0x31: {  	[smem:$0x3FB6] =	sst s10  }
0x32: {  	s10 =	sld [smem:$0x3FB4];
	_ =	sdelay $0x3  }
0x33: {  	p0 =	seq.s32 s10, $0x1;
	s10 =	sld [smem:$0x3FB6];
	_ =	sdelay $0x3  }
0x34: {  	[smem:$0x3FB6] =	sst s10  }
0x35: {  	s10 =	sld [smem:$0x3FB5];
	_ =	sdelay $0x3  }
0x36: {  	p1 =	seq.s32 s10, $0x1;
	s10 =	sld [smem:$0x3FB6];
	_ =	sdelay $0x3  }
0x37: {  	[smem:$0x3FB6] =	sst s10  }
0x38: {  	s10 =	sld [smem:$0x3FB7]  }
0x39: {  	_ = 	snop;
	(pc) =	sbr.ind lr, $3  }
0x3a: {  	_ = 	snop  }
0x3b: {  	_ = 	snop  }
0x3c: {  	p2 =	seq.s32 s10, $0x1;
	s10 =	sld [smem:$0x3FB6]  }
0x3d: {  	_ =	shalt  }
0x3e: {  	_ =	shalt  }
0x3f: {  	_ =	shalt  }
0x40: {  	_ =	shalt  }
0x41: {  	_ =	shalt  }
0x42: {  	_ =	shalt  }
0x43: {  	_ =	shalt  }
0x44: {  	_ =	shalt  }
0x45: {  	_ =	shalt  }
0x46: {  	_ =	shalt  }
0x47: {  	_ =	shalt  }
0x48: {  	_ =	shalt  }
0x49: {  	_ =	shalt  }
0x4a: {  	_ =	shalt  }
0x4b: {  	_ =	shalt  }
0x4c: {  	_ =	shalt  }
0x4d: {  	_ =	shalt  }
0x4e: {  	_ =	shalt  }
0x4f: {  	_ =	shalt  }
0x50: {  	_ =	shalt  }
0x51: {  	_ =	shalt  }
0x52: {  	_ =	shalt  }
0x53: {  	_ =	shalt  }
0x54: {  	_ =	shalt  }
0x55: {  	_ =	shalt  }
0x56: {  	_ =	shalt  }
0x57: {  	_ =	shalt  }
0x58: {  	_ =	shalt  }
0x59: {  	_ =	shalt  }
0x5a: {  	_ =	shalt  }
0x5b: {  	_ =	shalt  }
0x5c: {  	_ =	shalt  }
0x5d: {  	_ =	shalt  }
0x5e: {  	_ =	shalt  }
0x5f: {  	_ =	shalt  }
0x60: {  	_ =	shalt  }
0x61: {  	_ =	shalt  }
0x62: {  	_ =	shalt  }
0x63: {  	_ =	shalt  }
0x64: {  	_ =	shalt  }
0x65: {  	_ =	shalt  }
0x66: {  	_ =	shalt  }
0x67: {  	_ =	shalt  }
0x68: {  	_ =	shalt  }
0x69: {  	_ =	shalt  }
0x6a: {  	_ =	shalt  }
0x6b: {  	_ =	shalt  }
0x6c: {  	_ =	shalt  }
0x6d: {  	_ =	shalt  }
0x6e: {  	_ =	shalt  }
0x6f: {  	_ =	shalt  }
0x70: {  	_ =	shalt  }
0x71: {  	_ =	shalt  }
0x72: {  	_ =	shalt  }
0x73: {  	_ =	shalt  }
0x74: {  	_ =	shalt  }
0x75: {  	_ =	shalt  }
0x76: {  	_ =	shalt  }
0x77: {  	_ =	shalt  }
0x78: {  	_ =	shalt  }
0x79: {  	_ =	shalt  }
0x7a: {  	_ =	shalt  }
0x7b: {  	_ =	shalt  }
0x7c: {  	_ =	shalt  }
0x7d: {  	_ =	shalt  }
0x7e: {  	_ =	shalt  }
0x7f: {  	_ =	shalt  }
0x80: {  	_ =	shalt  }
0x81: {  	_ =	shalt  }
0x82: {  	_ =	shalt  }
0x83: {  	_ =	shalt  }
0x84: {  	_ =	shalt  }
0x85: {  	_ =	shalt  }
0x86: {  	_ =	shalt  }
0x87: {  	_ =	shalt  }
.Lfunc_end0:
.L_simem_size_0:
called_computation_lowered:
.L_overlay_start_0:
0x88: {  	s2 =	sld [smem:$0x3FD9]  }
0x89: {  	s3 =	sld [smem:$0x3FFE];
	_ =	sdelay $0x1  }
0x8a: {  	s1 =	srdreg.scid  }
0x8b: {  	s0 =	sand.u32 $0x1, s1  }
0x8c: {  	s17 =	sshll.u32 s0, $0xA;
	s2 =	sadd.s32 s3, s2  }
0x8d: {  	s2 =	sadd.s32 s2, s17  }
0x8e: {  	[smem:$0x3FC2] =	sst s2  }
0x8f: {  	_ = 	snop  }
0x90: {  	s2 =	sld [smem:$0x3FC9]  }
0x91: {  	s18 =	sld [smem:$0x3FC8]  }
0x92: {  	s4 =	sld [smem:$0x3FC7]  }
0x93: {  	s5 =	sld [smem:$0x3FD0];
	(tm) =	ssettm $0x1  }
0x94: {  	s6 =	sld [smem:$0x3FFB];
	_ =	sdelay $0x3  }
0x95: {  	_ =	strace s6  }
0x96: {  	s6 =	sld [smem:$0x3FFC];
	_ =	sdelay $0x3  }
0x97: {  	_ =	strace s6  }
0x98: {  	s6 =	sld [smem:$0x3FFD];
	_ =	sdelay $0x3  }
0x99: {  	_ =	strace s6  }
0x9a: {  	_ =	strace $0x8FFFFFFF  }
0x9b: {  	s19 =	sld [smem:$0x3FDB];
	_ =	sdelay $0x1  }
0x9c: {  	s7 =	simm.s32 $_scs_section_size  }
0x9d: {  	s8 =	simm.s32 $_size__tile_overlayer_lowered;
	s9 =	simm.s32 $_tile_overlayer_lowered  }
0x9e: {  	s22 =	simm.s32 $0x1BFF;
	s21 =	sshll.u32 s9, $0x1;
	s6 =	sadd.s32 s7, s19  }
0x9f: {  	s10 =	simm.s32 $0x0;
	s20 =	sshll.u32 s8, $0x1;
	s8 =	sadd.s32 s21, s6  }
0xa0: {  	[timem:s10], [sflag:s22] =	dma.local [hbm:s8], s20  }
0xa1: {  	_ =	swait.ge [sflag:s22], s20  }
0xa2: {  	s7 =	ssub.s32 $0x0, s20;
	[sflag:s22] =	ssyncset.done $0x0  }
0xa3: {  	[sflag:s22] =	ssyncadd.s32 s7;
	_ =	sdelay $0x1  }
0xa4: {  	s23 =	simm.s32 $0x1B8B  }
0xa5: {  	_ =	swait.ge [sflag:s23], $0x1  }
0xa6: {  	[sflag:s23] =	ssyncset.done $0x0  }
0xa7: {  	s25 =	simm.s32 $0x1B8E;
	s24 =	sld [smem:$0x3FFE];
	[sflag:s23] =	ssyncadd.s32 $0xFFFFFFFF  }
0xa8: {  	s26 =	simm.s32 $execute0_lowered;
	[smem:$0x3FD2] =	sst s25  }
0xa9: {  	s8 =	sshll.u32 s26, $0x1;
	_ =	strace $0x80000046;
	[dreg:$0x1] =	wrdreg $0xFFFFFFFF  }
0xaa: {  	s28 =	simm.s32 $_size_execute0_lowered;
	s6 =	sadd.s32 s6, s8;
	[dreg:$0x0] =	wrdreg $0x0  }
0xab: {  	s8 =	sshll.u32 s28, $0x1;
	[dreg:$0x2] =	wrdreg s6  }
0xac: {  	[dreg:$0x3] =	wrdreg s8  }
0xad: {  	[dreg:$0x4] =	wrdreg $0xC0  }
0xae: {  	_ =	task [dreg:s10], $0x5FFFF  }
0xaf: {  	[dreg:$0x1] =	wrdreg $0xFFFFFFFF  }
0xb0: {  	[dreg:$0x0] =	wrdreg $0x60  }
0xb1: {  	[dreg:$0x2] =	wrdreg s2  }
0xb2: {  	[dreg:$0x3] =	wrdreg s18  }
0xb3: {  	[dreg:$0x4] =	wrdreg s4  }
0xb4: {  	[dreg:$0x5] =	wrdreg s24  }
0xb5: {  	[dreg:$0x6] =	wrdreg s5  }
0xb6: {  	[dreg:$0x7] =	wrdreg $0x9  }
0xb7: {  	_ =	task.clear_ibuf [dreg:s10], $0x8FFFF;
	_ =	strace $0x90000046  }
0xb8: {  	s29 =	simm.s32 $0x9;
	_ =	strace $0x80000048  }
0xb9: {  	_ =	swait.ge [sflag:s29], $0x1  }
0xba: {  	[sflag:s29] =	ssyncadd.s32 $0xFFFFFFFF  }
0xbb: {  	_ =	strace $0x90000048  }
0xbc: {  	_ =	sfence  }
0xbd: {  	s30 =	sld [smem:$0x0];
	_ =	sdelay $0x2  }
0xbe: {  	s31 =	sshll.u32 s1, $0xD;
	s1 =	sshrl.u32 s1, $0x2  }
0xbf: {  	s3 =	sand.u32 $0x4000, s31;
	s1 =	sadd.s32 s1, s30  }
0xc0: {  	s0 =	sor.u32 s3, s0;
	s1 =	sshll.u32 s1, $0x11  }
0xc1: {  	s0 =	sor.u32 s1, s0  }
0xc2: {  	s0 =	sadd.s32 $0x8F2B, s0  }
0xc3: {  	[sflag:s0] =	ssyncadd.remote.s32 $0x1  }
0xc4: {  	_ =	sfence.sel $0xFFFF  }
0xc5: {  	[dreg:$0x0] =	wrdreg $0xFFFFFFFF;
	(pc) =	sbr.abs _section_cstart, $3  }
0xc6: {  	[dreg:$0x1] =	wrdreg $0xFFFFFFFF  }
0xc7: {  	_ =	task.clear_ibuf [dreg:s10], $0x2FFFF;
	_ =	strace $0x9FFFFFFF  }
0xc8: {  	(tm) =	ssettm $0x7FFFFFFF  }
0xc9: {  	_ =	shalt  }
tec
execute0_lowered:
.L_overlay_start_1:
0x0: {  	(tag) =	ssettag $0x1  }
0x1: {  	s1 =	srdreg.scid;
	s0 =	stileid.u32  }
0x2: {  	s4 =	sand.u32 $0x1, s1;
	s15 =	sshll.u32 s0, $0x1  }
0x3: {  	v0 =	vlaneseq.u32;
	s5 =	sor.u32 s4, s15  }
0x4: {  	v0 =	vmul.u32 $0x3, v0;
	s1 =	smul.u32 $0x600, s5;
	_ =	sdelay $0x1  }
0x5: {  	v16 =	vadd.s32 $0x1, v0;
	v1 =	vor.u32 s1, v0  }
0x6: {  	v21 =	vadd.s32 $0x2, v0;
	[tilespmem:$0x1FDF0] =	vst v1;
	v1 =	vor.u32 s1, v16  }
0x7: {  	s2 =	sor.u32 $0x30, s1;
	[tilespmem:$0x1FE00] =	vst v1;
	v1 =	vor.u32 s1, v21  }
0x8: {  	[tilespmem:$0x1FE10] =	vst v1;
	v1 =	vadd.s32 s2, v0  }
0x9: {  	[tilespmem:$0x1FE20] =	vst v1;
	v1 =	vadd.s32 s2, v16  }
0xa: {  	s16 =	sor.u32 $0x60, s1;
	s25 =	sadd.s32 $0x210, s1;
	[tilespmem:$0x1FE30] =	vst v1;
	v1 =	vadd.s32 s2, v21  }
0xb: {  	s26 =	sadd.s32 $0x240, s1;
	v33 =	vadd.s32 s25, v0;
	v34 =	vadd.s32 s25, v16;
	[tilespmem:$0x1FE40] =	vst v1;
	v1 =	vadd.s32 s16, v0  }
0xc: {  	v35 =	vadd.s32 s25, v21;
	v36 =	vor.u32 s26, v0;
	[tilespmem:$0x1FE50] =	vst v1;
	v1 =	vadd.s32 s16, v16  }
0xd: {  	s17 =	sor.u32 $0x90, s1;
	s28 =	sadd.s32 $0x270, s1;
	v37 =	vor.u32 s26, v16;
	v38 =	vor.u32 s26, v21;
	[tilespmem:$0x1FE60] =	vst v1;
	v1 =	vadd.s32 s16, v21  }
0xe: {  	s29 =	sadd.s32 $0x2A0, s1;
	v39 =	vadd.s32 s28, v0;
	v40 =	vadd.s32 s28, v16;
	[tilespmem:$0x1FE70] =	vst v1;
	v1 =	vadd.s32 s17, v0  }
0xf: {  	v41 =	vadd.s32 s28, v21;
	v42 =	vadd.s32 s29, v0;
	[tilespmem:$0x1FE80] =	vst v1;
	v1 =	vadd.s32 s17, v16  }
0x10: {  	s18 =	sor.u32 $0xC0, s1;
	s30 =	sadd.s32 $0x2D0, s1;
	s10 =	sadd.s32 $0x300, s1;
	v43 =	vadd.s32 s29, v16;
	v44 =	vadd.s32 s29, v21;
	[tilespmem:$0x1FE90] =	vst v1;
	v1 =	vadd.s32 s17, v21  }
0x11: {  	s11 =	sadd.s32 $0x330, s1;
	s12 =	sadd.s32 $0x360, s1;
	v45 =	vadd.s32 s30, v0;
	v48 =	vor.u32 s10, v0;
	[tilespmem:$0x1FEA0] =	vst v1;
	v1 =	vor.u32 s18, v0  }
0x12: {  	s13 =	sadd.s32 $0x390, s1;
	s14 =	sadd.s32 $0x3C0, s1;
	v49 =	vadd.s32 s11, v0;
	v50 =	vadd.s32 s12, v0;
	[tilespmem:$0x1FEB0] =	vst v1;
	v1 =	vor.u32 s18, v16  }
0x13: {  	s19 =	sor.u32 $0xF0, s1;
	s15 =	sadd.s32 $0x3F0, s1;
	v51 =	vadd.s32 s13, v0;
	v52 =	vor.u32 s14, v0;
	[tilespmem:$0x1FEC0] =	vst v1;
	v1 =	vor.u32 s18, v21  }
0x14: {  	v53 =	vadd.s32 s15, v0;
	v2 =	vadd.s32 s11, v16;
	[tilespmem:$0x1FED0] =	vst v1;
	v1 =	vadd.s32 s19, v0  }
0x15: {  	v3 =	vadd.s32 s12, v16;
	v4 =	vadd.s32 s13, v16;
	[tilespmem:$0x1FEE0] =	vst v1;
	v1 =	vadd.s32 s19, v16  }
0x16: {  	s20 =	sor.u32 $0x120, s1;
	v5 =	vor.u32 s14, v16;
	v6 =	vadd.s32 s15, v16;
	[tilespmem:$0x1FEF0] =	vst v1;
	v1 =	vadd.s32 s19, v21  }
0x17: {  	s6 =	rddreg [dreg:$0x0];
	v17 =	vadd.s32 s11, v21;
	v18 =	vadd.s32 s12, v21;
	[tilespmem:$0x1FF00] =	vst v1;
	v1 =	vadd.s32 s20, v0  }
0x18: {  	s7 =	rddreg [dreg:$0x1];
	s25 =	sadd.s32 $0x5D0, s1;
	v19 =	vadd.s32 s13, v21;
	v20 =	vor.u32 s14, v21;
	[tilespmem:$0x1FF10] =	vst v1;
	v1 =	vadd.s32 s20, v16  }
0x19: {  	s8 =	rddreg [dreg:$0x2];
	s21 =	sor.u32 $0x150, s1;
	v22 =	vadd.s32 s15, v21;
	v63 =	vadd.s32 s25, v0;
	s16 =	sadd.s32 $0x420, s1;
	[tilespmem:$0x1FF20] =	vst v1;
	v1 =	vadd.s32 s20, v21  }
0x1a: {  	s9 =	rddreg [dreg:$0x3];
	s3 =	simm.s32 $0x0;
	v54 =	vadd.s32 s16, v0;
	v7 =	vadd.s32 s16, v16;
	s17 =	sadd.s32 $0x450, s1;
	[tilespmem:$0x1FF30] =	vst v1;
	v1 =	vadd.s32 s21, v0  }
0x1b: {  	[smem:$0x7FF] =	sst s3;
	v23 =	vadd.s32 s16, v21;
	v55 =	vadd.s32 s17, v0;
	[tilespmem:$0x1FF40] =	vst v1;
	v1 =	vadd.s32 s21, v16  }
0x1c: {  	s4 =	ssub.s32 $0x2, s4;
	s22 =	sor.u32 $0x180, s1;
	v8 =	vadd.s32 s17, v16;
	v24 =	vadd.s32 s17, v21;
	s18 =	sadd.s32 $0x480, s1;
	[tilespmem:$0x1FF50] =	vst v1;
	v1 =	vadd.s32 s21, v21  }
0x1d: {  	s31 =	sshrl.u32 s4, $0x1;
	s23 =	sor.u32 $0x1B0, s1;
	v56 =	vor.u32 s18, v0;
	v9 =	vor.u32 s18, v16;
	s19 =	sadd.s32 $0x4B0, s1;
	[tilespmem:$0x1FF60] =	vst v1;
	v1 =	vor.u32 s22, v0  }
0x1e: {  	s24 =	sor.u32 $0x1E0, s1;
	s26 =	sshll.u32 s5, $0x6;
	s11 =	simm.s32 $0x7;
	v25 =	vor.u32 s18, v21;
	v57 =	vadd.s32 s19, v0;
	[tilespmem:$0x1FF70] =	vst v1;
	v1 =	vor.u32 s22, v16  }
0x1f: {  	s12 =	simm.s32 $0x200;
	s13 =	simm.s32 $0x400;
	v10 =	vadd.s32 s19, v16;
	v26 =	vadd.s32 s19, v21;
	s20 =	sadd.s32 $0x4E0, s1;
	[tilespmem:$0x1FF80] =	vst v1;
	v1 =	vor.u32 s22, v21  }
0x20: {  	s14 =	simm.s32 $0xC00;
	s15 =	simm.s32 $0x4C00;
	v58 =	vadd.s32 s20, v0;
	v11 =	vadd.s32 s20, v16;
	s21 =	sadd.s32 $0x510, s1;
	[tilespmem:$0x1FF90] =	vst v1;
	v1 =	vadd.s32 s23, v0  }
0x21: {  	s5 =	sadd.s32 s6, s26;
	s6 =	sadd.s32 s7, s26;
	s7 =	sadd.s32 s8, s26;
	v27 =	vadd.s32 s20, v21;
	v59 =	vadd.s32 s21, v0;
	[tilespmem:$0x1FFA0] =	vst v1;
	v1 =	vadd.s32 s23, v16  }
0x22: {  	s8 =	sadd.s32 $0x800, s9;
	s2 =	rddreg [dreg:$0x4];
	v12 =	vadd.s32 s21, v16;
	v28 =	vadd.s32 s21, v21;
	s22 =	sadd.s32 $0x540, s1;
	[tilespmem:$0x1FFB0] =	vst v1;
	v1 =	vadd.s32 s23, v21  }
0x23: {  	s16 =	simm.s32 $0x8C00;
	s17 =	simm.s32 $0x1;
	v60 =	vor.u32 s22, v0;
	v13 =	vor.u32 s22, v16;
	s23 =	sadd.s32 $0x570, s1;
	[tilespmem:$0x1FFC0] =	vst v1;
	v1 =	vadd.s32 s24, v0  }
0x24: {  	s18 =	simm.s32 $0x600;
	s19 =	simm.s32 $0x2;
	s20 =	simm.s32 $0x800;
	v29 =	vor.u32 s22, v21;
	v61 =	vadd.s32 s23, v0;
	[tilespmem:$0x1FFD0] =	vst v1;
	v1 =	vadd.s32 s24, v16  }
0x25: {  	s21 =	simm.s32 $0x3;
	s22 =	simm.s32 $0xA00;
	v14 =	vadd.s32 s23, v16;
	v30 =	vadd.s32 s23, v21;
	[tilespmem:$0x1FFE0] =	vst v1;
	v1 =	vadd.s32 s24, v21;
	s24 =	sadd.s32 $0x5A0, s1  }
0x26: {  	s23 =	simm.s32 $0x4;
	s1 =	rddreg [dreg:$0x5];
	[tilespmem:$0x1FFF0] =	vst v1;
	v62 =	vadd.s32 s24, v0;
	v0 =	vor.u32 s10, v16;
	v1 =	vor.u32 s10, v21;
	s10 =	ssub.s32 s4, s31  }
0x27: {  	v46 =	vadd.s32 s30, v16;
	s4 =	sadd.s32 $0x494600, s9;
	s9 =	sadd.s32 $0x4800, s9;
	v15 =	vadd.s32 s24, v16;
	v31 =	vadd.s32 s24, v21;
	s24 =	simm.s32 $0x5  }
0x28: {  	v47 =	vadd.s32 s30, v21;
	v16 =	vadd.s32 s25, v16;
	v21 =	vadd.s32 s25, v21;
	s25 =	simm.s32 $0x6;
	_ =	strace $0x80000047;
	s10 =	smax.u32 s10, $0x1  }
.LBB2_1:
0x29: {  	[tilespmem:s3], [sflag:$0x7] =	stream.linear.gather [hbm4b:s5+s3], $0x200, $0x38;
	[tilespmem:$0xCC00] =	vst v63  }
0x2a: {  	_ =	swait.ge [sflag:s11], $0x200  }
0x2b: {  	[sflag:s11] =	ssyncset.done $0x0  }
0x2c: {  	[sflag:s11] =	ssyncadd.s32 $0xFFFFFE00  }
0x2d: {  	[tilespmem:s12], [sflag:$0x7] =	stream.linear.gather [hbm4b:s6+s3], $0x200, $0x38;
	[tilespmem:$0xCC00] =	vst v63  }
0x2e: {  	_ =	swait.ge [sflag:s11], $0x200  }
0x2f: {  	[sflag:s11] =	ssyncset.done $0x0  }
0x30: {  	[sflag:s11] =	ssyncadd.s32 $0xFFFFFE00  }
0x31: {  	[tilespmem:s13], [sflag:$0x7] =	stream.linear.gather [hbm4b:s7+s3], $0x200, $0x38;
	[tilespmem:$0xCC00] =	vst v63  }
0x32: {  	_ =	swait.ge [sflag:s11], $0x200  }
0x33: {  	[sflag:s11] =	ssyncset.done $0x0  }
0x34: {  	[sflag:s11] =	ssyncadd.s32 $0xFFFFFE00  }
0x35: {  	v32 =	vld [tilespmem:$0x1FDF0];
	[tilespmem:s14], [sflag:$0x1] =	stream.indirect.gather [hbm4b:s4+s12], $0x20, s3, s12, $0xb8  }
0x36: {  	_ = 	snop  }
0x37: {  	[tilespmem:s15], [sflag:$0x2] =	stream.indirect.gather [hbm4b:s8+s12], $0x20, s12, s12, $0xb8;
	[tilespmem:$0xCC00] =	vst v63  }
0x38: {  	_ = 	snop  }
0x39: {  	[tilespmem:s16], [sflag:$0x3] =	stream.indirect.gather [hbm4b:s9+s12], $0x20, s13, s12, $0xb8;
	[tilespmem:$0xCC00] =	vst v63  }
0x3a: {  	[tilespmem:$0x600] =	vst v32;
	v32 =	vld [tilespmem:$0x1FE00];
	_ =	sdelay $0x4  }
0x3b: {  	[tilespmem:$0x800] =	vst v32;
	v32 =	vld [tilespmem:$0x1FE10];
	_ =	sdelay $0x4  }
0x3c: {  	[tilespmem:$0xA00] =	vst v32;
	v32 =	vld [tilespmem:$0x1FE20];
	_ =	sdelay $0x4  }
0x3d: {  	[tilespmem:$0x610] =	vst v32;
	v32 =	vld [tilespmem:$0x1FE30];
	_ =	sdelay $0x4  }
0x3e: {  	[tilespmem:$0x810] =	vst v32;
	v32 =	vld [tilespmem:$0x1FE40];
	_ =	sdelay $0x4  }
0x3f: {  	[tilespmem:$0xA10] =	vst v32;
	v32 =	vld [tilespmem:$0x1FE50];
	_ =	sdelay $0x4  }
0x40: {  	[tilespmem:$0x620] =	vst v32;
	v32 =	vld [tilespmem:$0x1FE60];
	_ =	sdelay $0x4  }
0x41: {  	[tilespmem:$0x820] =	vst v32;
	v32 =	vld [tilespmem:$0x1FE70];
	_ =	sdelay $0x4  }
0x42: {  	[tilespmem:$0xA20] =	vst v32;
	v32 =	vld [tilespmem:$0x1FE80];
	_ =	sdelay $0x4  }
0x43: {  	[tilespmem:$0x630] =	vst v32;
	v32 =	vld [tilespmem:$0x1FE90];
	_ =	sdelay $0x4  }
0x44: {  	[tilespmem:$0x830] =	vst v32;
	v32 =	vld [tilespmem:$0x1FEA0];
	_ =	sdelay $0x4  }
0x45: {  	[tilespmem:$0xA30] =	vst v32;
	v32 =	vld [tilespmem:$0x1FEB0];
	_ =	sdelay $0x4  }
0x46: {  	[tilespmem:$0x640] =	vst v32;
	v32 =	vld [tilespmem:$0x1FEC0];
	_ =	sdelay $0x4  }
0x47: {  	[tilespmem:$0x840] =	vst v32;
	v32 =	vld [tilespmem:$0x1FED0];
	_ =	sdelay $0x4  }
0x48: {  	[tilespmem:$0xA40] =	vst v32;
	v32 =	vld [tilespmem:$0x1FEE0];
	_ =	sdelay $0x4  }
0x49: {  	[tilespmem:$0x650] =	vst v32;
	v32 =	vld [tilespmem:$0x1FEF0];
	_ =	sdelay $0x4  }
0x4a: {  	[tilespmem:$0x850] =	vst v32;
	v32 =	vld [tilespmem:$0x1FF00];
	_ =	sdelay $0x1  }
0x4b: {  	[tilespmem:$0x6B0] =	vst v33  }
0x4c: {  	[tilespmem:$0x8B0] =	vst v34  }
0x4d: {  	[tilespmem:$0xAB0] =	vst v35  }
0x4e: {  	[tilespmem:$0xA50] =	vst v32;
	v32 =	vld [tilespmem:$0x1FF10]  }
0x4f: {  	[tilespmem:$0x6C0] =	vst v36  }
0x50: {  	[tilespmem:$0x8C0] =	vst v37  }
0x51: {  	[tilespmem:$0xAC0] =	vst v38  }
0x52: {  	[tilespmem:$0x6D0] =	vst v39  }
0x53: {  	[tilespmem:$0x660] =	vst v32;
	v32 =	vld [tilespmem:$0x1FF20]  }
0x54: {  	[tilespmem:$0x8D0] =	vst v40  }
0x55: {  	[tilespmem:$0xAD0] =	vst v41  }
0x56: {  	[tilespmem:$0x6E0] =	vst v42  }
0x57: {  	[tilespmem:$0x8E0] =	vst v43  }
0x58: {  	[tilespmem:$0x860] =	vst v32;
	v32 =	vld [tilespmem:$0x1FF30]  }
0x59: {  	[tilespmem:$0xAE0] =	vst v44  }
0x5a: {  	[tilespmem:$0x6F0] =	vst v45  }
0x5b: {  	[tilespmem:$0x8F0] =	vst v46  }
0x5c: {  	[tilespmem:$0xAF0] =	vst v47  }
0x5d: {  	[tilespmem:$0xA60] =	vst v32;
	v32 =	vld [tilespmem:$0x1FF40]  }
0x5e: {  	[tilespmem:$0x700] =	vst v48  }
0x5f: {  	[tilespmem:$0x900] =	vst v0  }
0x60: {  	[tilespmem:$0xB00] =	vst v1  }
0x61: {  	[tilespmem:$0x710] =	vst v49  }
0x62: {  	[tilespmem:$0x670] =	vst v32;
	v32 =	vld [tilespmem:$0x1FF50]  }
0x63: {  	[tilespmem:$0x910] =	vst v2  }
0x64: {  	[tilespmem:$0xB10] =	vst v17  }
0x65: {  	[tilespmem:$0x720] =	vst v50  }
0x66: {  	[tilespmem:$0x920] =	vst v3  }
0x67: {  	[tilespmem:$0x870] =	vst v32;
	v32 =	vld [tilespmem:$0x1FF60]  }
0x68: {  	[tilespmem:$0xB20] =	vst v18  }
0x69: {  	[tilespmem:$0x730] =	vst v51  }
0x6a: {  	[tilespmem:$0x930] =	vst v4  }
0x6b: {  	[tilespmem:$0xB30] =	vst v19  }
0x6c: {  	[tilespmem:$0xA70] =	vst v32;
	v32 =	vld [tilespmem:$0x1FF70]  }
0x6d: {  	[tilespmem:$0x740] =	vst v52  }
0x6e: {  	[tilespmem:$0x940] =	vst v5  }
0x6f: {  	[tilespmem:$0xB40] =	vst v20  }
0x70: {  	[tilespmem:$0x750] =	vst v53  }
0x71: {  	[tilespmem:$0x680] =	vst v32;
	v32 =	vld [tilespmem:$0x1FF80]  }
0x72: {  	[tilespmem:$0x950] =	vst v6  }
0x73: {  	[tilespmem:$0xB50] =	vst v22  }
0x74: {  	[tilespmem:$0x760] =	vst v54  }
0x75: {  	[tilespmem:$0x960] =	vst v7  }
0x76: {  	[tilespmem:$0x880] =	vst v32;
	v32 =	vld [tilespmem:$0x1FF90]  }
0x77: {  	[tilespmem:$0xB60] =	vst v23  }
0x78: {  	[tilespmem:$0x770] =	vst v55  }
0x79: {  	[tilespmem:$0x970] =	vst v8  }
0x7a: {  	[tilespmem:$0xB70] =	vst v24  }
0x7b: {  	[tilespmem:$0xA80] =	vst v32;
	v32 =	vld [tilespmem:$0x1FFA0]  }
0x7c: {  	[tilespmem:$0x780] =	vst v56  }
0x7d: {  	[tilespmem:$0x980] =	vst v9  }
0x7e: {  	[tilespmem:$0xB80] =	vst v25  }
0x7f: {  	[tilespmem:$0x790] =	vst v57  }
0x80: {  	[tilespmem:$0x690] =	vst v32;
	v32 =	vld [tilespmem:$0x1FFB0]  }
0x81: {  	[tilespmem:$0x990] =	vst v10  }
0x82: {  	[tilespmem:$0xB90] =	vst v26  }
0x83: {  	[tilespmem:$0x7A0] =	vst v58  }
0x84: {  	[tilespmem:$0x9A0] =	vst v11  }
0x85: {  	[tilespmem:$0x890] =	vst v32;
	v32 =	vld [tilespmem:$0x1FFC0]  }
0x86: {  	[tilespmem:$0xBA0] =	vst v27  }
0x87: {  	[tilespmem:$0x7B0] =	vst v59  }
0x88: {  	[tilespmem:$0x9B0] =	vst v12  }
0x89: {  	[tilespmem:$0xBB0] =	vst v28  }
0x8a: {  	[tilespmem:$0xA90] =	vst v32;
	v32 =	vld [tilespmem:$0x1FFD0]  }
0x8b: {  	[tilespmem:$0x7C0] =	vst v60  }
0x8c: {  	[tilespmem:$0x9C0] =	vst v13  }
0x8d: {  	[tilespmem:$0xBC0] =	vst v29  }
0x8e: {  	[tilespmem:$0x7D0] =	vst v61  }
0x8f: {  	[tilespmem:$0x6A0] =	vst v32;
	v32 =	vld [tilespmem:$0x1FFE0]  }
0x90: {  	[tilespmem:$0x9D0] =	vst v14  }
0x91: {  	[tilespmem:$0xBD0] =	vst v30  }
0x92: {  	[tilespmem:$0x7E0] =	vst v62  }
0x93: {  	[tilespmem:$0x9E0] =	vst v15  }
0x94: {  	[tilespmem:$0x8A0] =	vst v32;
	v32 =	vld [tilespmem:$0x1FFF0]  }
0x95: {  	[tilespmem:$0xBE0] =	vst v31  }
0x96: {  	[tilespmem:$0x7F0] =	vst v63  }
0x97: {  	[tilespmem:$0x9F0] =	vst v16  }
0x98: {  	[tilespmem:$0xBF0] =	vst v21  }
0x99: {  	[tilespmem:$0xAA0] =	vst v32  }
0x9a: {  	_ =	swait.ge [sflag:s17], $0x4000  }
0x9b: {  	[sflag:s17] =	ssyncset.done $0x0  }
0x9c: {  	[sflag:s17] =	ssyncadd.s32 $0xFFFFC000  }
0x9d: {  	[hbm4b:s2+s12] =	stream.indirect.scatter [tilespmem:s14], [sflag:$0x4], $0x20, s18, s12, $0xb8;
	[tilespmem:$0xCC00] =	vst v63  }
0x9e: {  	_ =	swait.ge [sflag:s19], $0x4000  }
0x9f: {  	[sflag:s19] =	ssyncset.done $0x0  }
0xa0: {  	[sflag:s19] =	ssyncadd.s32 $0xFFFFC000  }
0xa1: {  	[hbm4b:s2+s12] =	stream.indirect.scatter [tilespmem:s15], [sflag:$0x5], $0x20, s20, s12, $0xb8;
	[tilespmem:$0xCC00] =	vst v63  }
0xa2: {  	_ =	swait.ge [sflag:s21], $0x4000  }
0xa3: {  	[sflag:s21] =	ssyncset.done $0x0  }
0xa4: {  	[sflag:s21] =	ssyncadd.s32 $0xFFFFC000  }
0xa5: {  	[hbm4b:s2+s12] =	stream.indirect.scatter [tilespmem:s16], [sflag:$0x6], $0x20, s22, s12, $0xb8;
	[tilespmem:$0xCC00] =	vst v63  }
0xa6: {  	_ =	swait.ge [sflag:s23], $0x4000  }
0xa7: {  	[sflag:s23] =	ssyncset.done $0x0  }
0xa8: {  	[sflag:s23] =	ssyncadd.s32 $0xFFFFC000  }
0xa9: {  	p0 =	sne.s32 s10, $0x1;
	_ =	swait.ge [sflag:s24], $0x4000  }
.Ltmp0:
0xaa: {  	[sflag:s24] =	ssyncset.done $0x0;
	(pc) =	sbr.rel @p0 .LBB2_1-.Ltmp0, $4  }
0xab: {  	[sflag:s24] =	ssyncadd.s32 $0xFFFFC000  }
0xac: {  	_ =	swait.ge [sflag:s25], $0x4000  }
0xad: {  	[sflag:s25] =	ssyncset.done $0x0  }
0xae: {  	s10 =	sadd.s32 $0xFFFFFFFF, s10;
	[sflag:s25] =	ssyncadd.s32 $0xFFFFC000  }
0xaf: {  	_ =	sfence.sel $0x180000  }
0xb0: {  	[bflag:$0x0] =	sbarrier.arrive $0xFFFF  }
0xb1: {  	p0 =	sne.s32 s0, $0x0;
	_ =	strace $0x90000047  }
0xb2: {  	s0 =	sadd.s32 @!p0 $0x100000, s1;
	[bflag:$0x2] =	sbarrier.arrive $0xFFFF  }
0xb3: {  	[sflag:s0] =	ssyncadd.tile.s32 @!p0 $0x1;
	_ =	shalt  }
.Lfunc_end2:
_tile_overlayer_lowered:
.L_overlay_start_2:
0xb4: {  	(tag) =	ssettag $0x2  }
0xb5: {  	s0 =	rddreg [dreg:$0x0];
	s2 =	stileid.u32  }
0xb6: {  	s1 =	rddreg [dreg:$0x1];
	p0 =	sne.s32 s2, $0x0  }
0xb7: {  	s3 =	rddreg [dreg:$0x2];
	[bflag:$0x3] =	sbarrier.arrive $0xFFFF;
	s2 =	simm.s32 @!p0 $0x1C07  }
0xb8: {  	[timem:s3], [sflag:s2] =	dma.local @!p0 [hbm:s0], s1  }
0xb9: {  	s0 =	simm.s32 @!p0 $0x7  }
0xba: {  	_ =	swait.ge @!p0 [sflag:s0], s1  }
0xbb: {  	s1 =	ssub.s32 @!p0 $0x0, s1;
	[sflag:s0] =	ssyncset.done @!p0 $0x0  }
0xbc: {  	[sflag:s0] =	ssyncadd.s32 @!p0 s1  }
0xbd: {  	[bflag:$0x3] =	sbarrier.arrive $0xFFFF  }
0xbe: {  	_ =	shalt  }

</sc_bundles>
